<compile_context>
chip_gen: v7x
topology: tpu7x:2x2x1
jax: 0.10.2.dev20260603
libtpu: 0.0.44.dev20260713+nightly
codegen_flags: <defaults>
</compile_context>

<pallas_src>
import jax
import jax.numpy as jnp
from jax import lax
from jax.experimental import pallas as pl
from jax.experimental.pallas import tpu as pltpu
from jax.experimental.pallas import tpu_sc as plsc

N_VARS = 100000
N_CLAUSES = 50000
L = 16
N_TILES = 32
CLAUSES_PAD = 50176
CPT = CLAUSES_PAD // N_TILES
CPT_LAST = N_CLAUSES - 31 * CPT
N_LIT = 3 * CPT
N_CHUNKS = CPT // L
N_CHUNKS_LAST = CPT_LAST // L
UNROLL = 4
MSB = jnp.int32(-2147483648)
IDX_MASK = jnp.int32(0x7FFFFFFF)


def _sigmoid(x):
    return 1.0 / (1.0 + jnp.exp(-x))


def _sat_body(stable_hbm, idxs_hbm,
              sats_hbm, min_hbm, cnt_hbm,
              shared_v, bounce_v, idx_v, lit_v, m_v, sat_v, red_v, sem, gsem):
    c = lax.axis_index("c")
    s = lax.axis_index("s")
    wid = c * 16 + s
    last = wid == N_TILES - 1
    nb4 = jnp.where(last, N_CHUNKS_LAST // UNROLL, N_CHUNKS // UNROLL)
    nbc = jnp.where(last, N_CHUNKS_LAST, N_CHUNKS)

    cps = []
    for j in range(3):
        cps.append(pltpu.async_copy(
            idxs_hbm.at[pl.ds(j * CLAUSES_PAD + wid * CPT, CPT)],
            idx_v.at[pl.ds(j * CPT, CPT)], sem))
    for cp in cps:
        cp.wait()

    SLICE = 12504
    LAST_SLICE = 2 * N_VARS - 15 * SLICE

    @pl.when(s < 15)
    def _():
        pltpu.sync_copy(stable_hbm.at[pl.ds(s * SLICE, SLICE)],
                        bounce_v.at[pl.ds(0, SLICE)])
        pltpu.sync_copy(bounce_v.at[pl.ds(0, SLICE)],
                        shared_v.at[pl.ds(s * SLICE, SLICE)])

    @pl.when(s == 15)
    def _():
        pltpu.sync_copy(stable_hbm.at[pl.ds(15 * SLICE, LAST_SLICE)],
                        bounce_v.at[pl.ds(0, LAST_SLICE)])
        pltpu.sync_copy(bounce_v.at[pl.ds(0, LAST_SLICE)],
                        shared_v.at[pl.ds(15 * SLICE, LAST_SLICE)])

    plsc.subcore_barrier()

    gcps = []
    for g in range(2):
        gcps.append(pltpu.async_copy(
            shared_v.at[idx_v.at[pl.ds(g * (N_LIT // 2), N_LIT // 2)]],
            lit_v.at[pl.ds(g * (N_LIT // 2), N_LIT // 2)], gsem))
    for cp in gcps:
        cp.wait()

    def chunk(cc, mn, ct):
        col = cc * L
        m = None
        for j in range(3):
            lit = lit_v[pl.ds(j * CPT + col, L)]
            m = lit if m is None else jnp.maximum(m, lit)
        m_v[pl.ds(col, L)] = m
        mn = jnp.minimum(mn, m)
        ct = ct + jnp.where(m > 0.0, jnp.float32(1.0), jnp.float32(0.0))
        return mn, ct

    def chunk_body(k, carry):
        mn, ct = carry
        for u in range(UNROLL):
            mn, ct = chunk(k * UNROLL + u, mn, ct)
        return (mn, ct)

    def chunk_body1(cc, carry):
        return chunk(cc, *carry)

    mn = jnp.full((L,), jnp.inf, jnp.float32)
    ct = jnp.zeros((L,), jnp.float32)
    mn, ct = lax.fori_loop(0, nb4, chunk_body, (mn, ct))
    mn, ct = lax.fori_loop(nb4 * UNROLL, nbc, chunk_body1, (mn, ct))

    def sig_chunk(k, carry):
        for u in range(UNROLL):
            col = (k * UNROLL + u) * L
            sat_v[pl.ds(col, L)] = _sigmoid(m_v[pl.ds(col, L)])
        return carry

    def sig_chunk1(cc, carry):
        col = cc * L
        sat_v[pl.ds(col, L)] = _sigmoid(m_v[pl.ds(col, L)])
        return carry

    lax.fori_loop(0, nb4, sig_chunk, 0)
    lax.fori_loop(nb4 * UNROLL, nbc, sig_chunk1, 0)

    @pl.when(~last)
    def _():
        pltpu.sync_copy(sat_v.at[pl.ds(0, CPT)],
                        sats_hbm.at[pl.ds(wid * CPT, CPT)])

    @pl.when(last)
    def _():
        pltpu.sync_copy(sat_v.at[pl.ds(0, CPT_LAST)],
                        sats_hbm.at[pl.ds(wid * CPT, CPT_LAST)])

    red_v[...] = _sigmoid(mn)
    pltpu.sync_copy(red_v, min_hbm.at[pl.ds(wid * L, L)])
    red_v[...] = ct
    pltpu.sync_copy(red_v, cnt_hbm.at[pl.ds(wid * L, L)])


_sat_call = pl.kernel(
    _sat_body,
    out_type=[
        jax.ShapeDtypeStruct((N_CLAUSES,), jnp.float32),
        jax.ShapeDtypeStruct((N_TILES * L,), jnp.float32),
        jax.ShapeDtypeStruct((N_TILES * L,), jnp.float32),
    ],
    mesh=plsc.VectorSubcoreMesh(core_axis_name="c", subcore_axis_name="s"),
    compiler_params=pltpu.CompilerParams(needs_layout_passes=False),
    scratch_types=[
        pltpu.VMEM_SHARED((2 * N_VARS,), jnp.float32),
        pltpu.VMEM((12504,), jnp.float32),
        pltpu.VMEM((N_LIT,), jnp.int32),
        pltpu.VMEM((N_LIT,), jnp.float32),
        pltpu.VMEM((CPT,), jnp.float32),
        pltpu.VMEM((CPT,), jnp.float32),
        pltpu.VMEM((L,), jnp.float32),
        pltpu.SemaphoreType.DMA,
        pltpu.SemaphoreType.DMA,
    ],
)


def _sig_tc_body(x_ref, o_ref):
    o_ref[...] = _sigmoid(x_ref[...])


_sig_tc = pl.pallas_call(
    _sig_tc_body,
    out_shape=jax.ShapeDtypeStruct((782, 128), jnp.float32),
)


@jax.jit
def kernel(assignment_logits, clause_vars, clause_signs):
    pad = ((0, CLAUSES_PAD - N_CLAUSES), (0, 0))
    idxs = (clause_vars.astype(jnp.int32)
            + (1 - clause_signs.astype(jnp.int32)) * N_VARS)
    idxs_lm = jnp.pad(idxs, pad).T.reshape(-1)
    stable = jnp.concatenate([assignment_logits, -assignment_logits])
    clause_satisfactions, mins, cnts = _sat_call(stable, idxs_lm)
    logits_2d = jnp.pad(assignment_logits, (0, 782 * 128 - N_VARS))
    assignments = _sig_tc(logits_2d.reshape(782, 128)).reshape(-1)[:N_VARS]
    all_satisfied = jnp.min(mins)
    n_satisfied = jnp.sum(cnts)
    return (assignments, clause_satisfactions, all_satisfied, n_satisfied)

# --- scband reference (transcript-rebuilt; emitter-appended) ---
"""Pipeline reference for scband-differentiable-satsolver-81003083202771 (READ-ONLY COPY).

The authoritative reference and input builder live on the scoring server;
editing this copy changes nothing except your own understanding.
"""

import jax, jax.numpy as jnp
import numpy as np

N_VARS = 100000
N_CLAUSES = 50000
CLAUSE_SIZE = 3


def setup_inputs(seed: int = 0) -> dict:
    key = jax.random.key(seed)
    k1, k2, k3 = jax.random.split(key, 3)
    assignment_logits = jax.random.normal(k1, (N_VARS,), dtype=jnp.float32)
    clause_vars = jax.random.randint(k2, (N_CLAUSES, CLAUSE_SIZE), 0, N_VARS, dtype=jnp.int64 if jax.config.jax_enable_x64 else jnp.int32)
    clause_signs = jax.random.randint(k3, (N_CLAUSES, CLAUSE_SIZE), 0, 2, dtype=jnp.int64 if jax.config.jax_enable_x64 else jnp.int32)
    return {
        "assignment_logits": assignment_logits,
        "clause_vars": clause_vars,
        "clause_signs": clause_signs,
    }


def reference(assignment_logits, clause_vars, clause_signs):
    # assignments = sigmoid(logits)
    assignments = jax.nn.sigmoid(assignment_logits)
    # Gather variable values for every literal: [n_clauses, clause_size]
    gathered = jnp.take(assignments, clause_vars, axis=0)
    # Positive literal -> value; negated literal -> 1 - value
    literal_values = jnp.where(clause_signs == 1, gathered, 1.0 - gathered)
    # Clause satisfaction = max over literals (soft OR)
    clause_satisfactions = jnp.max(literal_values, axis=1)
    # Formula satisfaction = min over clauses (soft AND)
    all_satisfied = jnp.min(clause_satisfactions)
    n_satisfied = jnp.sum((clause_satisfactions > 0.5).astype(jnp.float32))
    return (assignments, clause_satisfactions, all_satisfied, n_satisfied)

if __name__ == "__main__":
    import jax
    _d = setup_inputs()
    print(jax.jit(kernel)(*tuple(_d.values())))

</pallas_src>

<mosaic_0001>
#map = affine_map<(d0, d1) -> (0)>
module attributes {stable_mosaic.version = 14 : i64} {
  func.func @_sat_body(%arg0: i32, %arg1: i32, %arg2: memref<200000xf32, #tpu.memory_space<hbm>>, %arg3: memref<150528xi32, #tpu.memory_space<hbm>>, %arg4: memref<50000xf32, #tpu.memory_space<hbm>>, %arg5: memref<512xf32, #tpu.memory_space<hbm>>, %arg6: memref<512xf32, #tpu.memory_space<hbm>>, %arg7: memref<200000xf32, #tpu.memory_space<vmem_shared>>, %arg8: memref<12504xf32, #tpu.memory_space<vmem>>, %arg9: memref<4704xi32, #tpu.memory_space<vmem>>, %arg10: memref<4704xf32, #tpu.memory_space<vmem>>, %arg11: memref<1568xf32, #tpu.memory_space<vmem>>, %arg12: memref<1568xf32, #tpu.memory_space<vmem>>, %arg13: memref<16xf32, #tpu.memory_space<vmem>>, %arg14: memref<!tpu.dma_semaphore, #tpu.memory_space<semaphore_mem>>, %arg15: memref<!tpu.dma_semaphore, #tpu.memory_space<semaphore_mem>>) attributes {dimension_semantics = [#tpu.dimension_semantics<core_parallel>, #tpu.dimension_semantics<subcore_parallel>], iteration_bounds = array<i64: 2, 16>, scalar_prefetch = 0 : i64, scratch_operands = 9 : i64, tpu.core_type = #tpu.core_type<sc_vector_subcore>, window_params = [{transform_indices = #map}, {transform_indices = #map}, {transform_indices = #map}, {transform_indices = #map}, {transform_indices = #map}]} {
    %mul3A = arith.constant 16 : i32
    %mul3A_0 = arith.muli %arg0, %mul3A : i32
    %add3A = arith.addi %mul3A_0, %arg1 : i32
    %eq3A = arith.constant 31 : i32
    %eq3A_1 = arith.cmpi eq, %add3A, %eq3A : i32
    %jit3A = arith.constant 21 : i32
    %jit3A_2 = arith.constant 24 : i32
    %select_n3A = arith.select %eq3A_1, %jit3A, %jit3A_2 : i32
    %jit3A_3 = arith.constant 87 : i32
    %jit3A_4 = arith.constant 98 : i32
    %select_n3A_5 = arith.select %eq3A_1, %jit3A_3, %jit3A_4 : i32
    %mul3A_6 = arith.constant 1568 : i32
    %mul3A_7 = arith.muli %add3A, %mul3A_6 : i32
    %add3A_8 = arith.constant 0 : i32
    %add3A_9 = arith.addi %add3A_8, %mul3A_7 : i32
    %dma_start3A = arith.constant 0 : i32
    %dma_start3A_10 = tpu.memref_slice %arg9[%dma_start3A] : memref<4704xi32, #tpu.memory_space<vmem>> -> memref<1568xi32, #tpu.memory_space<vmem>>
    %dma_start3A_11 = tpu.memref_slice %arg3[%add3A_9] : memref<150528xi32, #tpu.memory_space<hbm>> -> memref<1568xi32, #tpu.memory_space<hbm>>
    %dma_start3A_12 = arith.constant 0 : i32
    %dma_start3A_13 = tpu.memref_slice %arg9[%dma_start3A_12] : memref<4704xi32, #tpu.memory_space<vmem>> -> memref<1568xi32, #tpu.memory_space<vmem>>
    %dma_start3A_14 = tpu.memref_slice %arg3[%add3A_9] : memref<150528xi32, #tpu.memory_space<hbm>> -> memref<1568xi32, #tpu.memory_space<hbm>>
    tpu.enqueue_dma source(%dma_start3A_14 : memref<1568xi32, #tpu.memory_space<hbm>>) target(%dma_start3A_13 : memref<1568xi32, #tpu.memory_space<vmem>>) target_semaphore(%arg14 : memref<!tpu.dma_semaphore, #tpu.memory_space<semaphore_mem>>)
    %mul3A_15 = arith.constant 1568 : i32
    %mul3A_16 = arith.muli %add3A, %mul3A_15 : i32
    %add3A_17 = arith.constant 50176 : i32
    %add3A_18 = arith.addi %add3A_17, %mul3A_16 : i32
    %dma_start3A_19 = arith.constant 1568 : i32
    %dma_start3A_20 = tpu.memref_slice %arg9[%dma_start3A_19] : memref<4704xi32, #tpu.memory_space<vmem>> -> memref<1568xi32, #tpu.memory_space<vmem>>
    %dma_start3A_21 = tpu.memref_slice %arg3[%add3A_18] : memref<150528xi32, #tpu.memory_space<hbm>> -> memref<1568xi32, #tpu.memory_space<hbm>>
    %dma_start3A_22 = arith.constant 1568 : i32
    %dma_start3A_23 = tpu.memref_slice %arg9[%dma_start3A_22] : memref<4704xi32, #tpu.memory_space<vmem>> -> memref<1568xi32, #tpu.memory_space<vmem>>
    %dma_start3A_24 = tpu.memref_slice %arg3[%add3A_18] : memref<150528xi32, #tpu.memory_space<hbm>> -> memref<1568xi32, #tpu.memory_space<hbm>>
    tpu.enqueue_dma source(%dma_start3A_24 : memref<1568xi32, #tpu.memory_space<hbm>>) target(%dma_start3A_23 : memref<1568xi32, #tpu.memory_space<vmem>>) target_semaphore(%arg14 : memref<!tpu.dma_semaphore, #tpu.memory_space<semaphore_mem>>)
    %mul3A_25 = arith.constant 1568 : i32
    %mul3A_26 = arith.muli %add3A, %mul3A_25 : i32
    %add3A_27 = arith.constant 100352 : i32
    %add3A_28 = arith.addi %add3A_27, %mul3A_26 : i32
    %dma_start3A_29 = arith.constant 3136 : i32
    %dma_start3A_30 = tpu.memref_slice %arg9[%dma_start3A_29] : memref<4704xi32, #tpu.memory_space<vmem>> -> memref<1568xi32, #tpu.memory_space<vmem>>
    %dma_start3A_31 = tpu.memref_slice %arg3[%add3A_28] : memref<150528xi32, #tpu.memory_space<hbm>> -> memref<1568xi32, #tpu.memory_space<hbm>>
    %dma_start3A_32 = arith.constant 3136 : i32
    %dma_start3A_33 = tpu.memref_slice %arg9[%dma_start3A_32] : memref<4704xi32, #tpu.memory_space<vmem>> -> memref<1568xi32, #tpu.memory_space<vmem>>
    %dma_start3A_34 = tpu.memref_slice %arg3[%add3A_28] : memref<150528xi32, #tpu.memory_space<hbm>> -> memref<1568xi32, #tpu.memory_space<hbm>>
    tpu.enqueue_dma source(%dma_start3A_34 : memref<1568xi32, #tpu.memory_space<hbm>>) target(%dma_start3A_33 : memref<1568xi32, #tpu.memory_space<vmem>>) target_semaphore(%arg14 : memref<!tpu.dma_semaphore, #tpu.memory_space<semaphore_mem>>)
    %dma_wait3A = arith.constant 0 : i32
    %dma_wait3A_35 = tpu.memref_slice %arg9[%dma_wait3A] : memref<4704xi32, #tpu.memory_space<vmem>> -> memref<1568xi32, #tpu.memory_space<vmem>>
    %dma_wait3A_36 = tpu.memref_slice %arg3[%add3A_9] : memref<150528xi32, #tpu.memory_space<hbm>> -> memref<1568xi32, #tpu.memory_space<hbm>>
    %dma_wait3A_37 = arith.constant 0 : i32
    %dma_wait3A_38 = tpu.memref_slice %arg9[%dma_wait3A_37] : memref<4704xi32, #tpu.memory_space<vmem>> -> memref<1568xi32, #tpu.memory_space<vmem>>
    %dma_wait3A_39 = tpu.memref_slice %arg3[%add3A_9] : memref<150528xi32, #tpu.memory_space<hbm>> -> memref<1568xi32, #tpu.memory_space<hbm>>
    tpu.wait_dma2 semaphore(%arg14 : memref<!tpu.dma_semaphore, #tpu.memory_space<semaphore_mem>>) src(%dma_wait3A_39 : memref<1568xi32, #tpu.memory_space<hbm>>) dst(%dma_wait3A_38 : memref<1568xi32, #tpu.memory_space<vmem>>)
    %dma_wait3A_40 = arith.constant 1568 : i32
    %dma_wait3A_41 = tpu.memref_slice %arg9[%dma_wait3A_40] : memref<4704xi32, #tpu.memory_space<vmem>> -> memref<1568xi32, #tpu.memory_space<vmem>>
    %dma_wait3A_42 = tpu.memref_slice %arg3[%add3A_18] : memref<150528xi32, #tpu.memory_space<hbm>> -> memref<1568xi32, #tpu.memory_space<hbm>>
    %dma_wait3A_43 = arith.constant 1568 : i32
    %dma_wait3A_44 = tpu.memref_slice %arg9[%dma_wait3A_43] : memref<4704xi32, #tpu.memory_space<vmem>> -> memref<1568xi32, #tpu.memory_space<vmem>>
    %dma_wait3A_45 = tpu.memref_slice %arg3[%add3A_18] : memref<150528xi32, #tpu.memory_space<hbm>> -> memref<1568xi32, #tpu.memory_space<hbm>>
    tpu.wait_dma2 semaphore(%arg14 : memref<!tpu.dma_semaphore, #tpu.memory_space<semaphore_mem>>) src(%dma_wait3A_45 : memref<1568xi32, #tpu.memory_space<hbm>>) dst(%dma_wait3A_44 : memref<1568xi32, #tpu.memory_space<vmem>>)
    %dma_wait3A_46 = arith.constant 3136 : i32
    %dma_wait3A_47 = tpu.memref_slice %arg9[%dma_wait3A_46] : memref<4704xi32, #tpu.memory_space<vmem>> -> memref<1568xi32, #tpu.memory_space<vmem>>
    %dma_wait3A_48 = tpu.memref_slice %arg3[%add3A_28] : memref<150528xi32, #tpu.memory_space<hbm>> -> memref<1568xi32, #tpu.memory_space<hbm>>
    %dma_wait3A_49 = arith.constant 3136 : i32
    %dma_wait3A_50 = tpu.memref_slice %arg9[%dma_wait3A_49] : memref<4704xi32, #tpu.memory_space<vmem>> -> memref<1568xi32, #tpu.memory_space<vmem>>
    %dma_wait3A_51 = tpu.memref_slice %arg3[%add3A_28] : memref<150528xi32, #tpu.memory_space<hbm>> -> memref<1568xi32, #tpu.memory_space<hbm>>
    tpu.wait_dma2 semaphore(%arg14 : memref<!tpu.dma_semaphore, #tpu.memory_space<semaphore_mem>>) src(%dma_wait3A_51 : memref<1568xi32, #tpu.memory_space<hbm>>) dst(%dma_wait3A_50 : memref<1568xi32, #tpu.memory_space<vmem>>)
    %lt3A = arith.constant 15 : i32
    %lt3A_52 = arith.cmpi slt, %arg1, %lt3A : i32
    %convert_element_type3A = arith.extui %lt3A_52 : i1 to i32
    %cond3A = arith.constant 0 : i32
    %cond3A_53 = arith.cmpi ne, %convert_element_type3A, %cond3A : i32
    scf.if %cond3A_53 {
      %mul3A_150 = arith.constant 12504 : i32
      %mul3A_151 = arith.muli %arg1, %mul3A_150 : i32
      "tpu.region"() ({
        %run_scoped3A = tpu.sem_alloc : memref<!tpu.dma_semaphore, #tpu.memory_space<semaphore_mem>>
        %dma_start3A_154 = arith.constant 0 : i32
        %dma_start3A_155 = tpu.memref_slice %arg8[%dma_start3A_154] : memref<12504xf32, #tpu.memory_space<vmem>> -> memref<12504xf32, #tpu.memory_space<vmem>>
        %dma_start3A_156 = tpu.memref_slice %arg2[%mul3A_151] : memref<200000xf32, #tpu.memory_space<hbm>> -> memref<12504xf32, #tpu.memory_space<hbm>>
        %dma_start3A_157 = arith.constant 0 : i32
        %dma_start3A_158 = tpu.memref_slice %arg8[%dma_start3A_157] : memref<12504xf32, #tpu.memory_space<vmem>> -> memref<12504xf32, #tpu.memory_space<vmem>>
        %dma_start3A_159 = tpu.memref_slice %arg2[%mul3A_151] : memref<200000xf32, #tpu.memory_space<hbm>> -> memref<12504xf32, #tpu.memory_space<hbm>>
        tpu.enqueue_dma source(%dma_start3A_159 : memref<12504xf32, #tpu.memory_space<hbm>>) target(%dma_start3A_158 : memref<12504xf32, #tpu.memory_space<vmem>>) target_semaphore(%run_scoped3A : memref<!tpu.dma_semaphore, #tpu.memory_space<semaphore_mem>>)
        %dma_wait3A_160 = arith.constant 0 : i32
        %dma_wait3A_161 = tpu.memref_slice %arg8[%dma_wait3A_160] : memref<12504xf32, #tpu.memory_space<vmem>> -> memref<12504xf32, #tpu.memory_space<vmem>>
        %dma_wait3A_162 = tpu.memref_slice %arg2[%mul3A_151] : memref<200000xf32, #tpu.memory_space<hbm>> -> memref<12504xf32, #tpu.memory_space<hbm>>
        %dma_wait3A_163 = arith.constant 0 : i32
        %dma_wait3A_164 = tpu.memref_slice %arg8[%dma_wait3A_163] : memref<12504xf32, #tpu.memory_space<vmem>> -> memref<12504xf32, #tpu.memory_space<vmem>>
        %dma_wait3A_165 = tpu.memref_slice %arg2[%mul3A_151] : memref<200000xf32, #tpu.memory_space<hbm>> -> memref<12504xf32, #tpu.memory_space<hbm>>
        tpu.wait_dma2 semaphore(%run_scoped3A : memref<!tpu.dma_semaphore, #tpu.memory_space<semaphore_mem>>) src(%dma_wait3A_165 : memref<12504xf32, #tpu.memory_space<hbm>>) dst(%dma_wait3A_164 : memref<12504xf32, #tpu.memory_space<vmem>>)
        tpu.yield
      }) : () -> ()
      %mul3A_152 = arith.constant 12504 : i32
      %mul3A_153 = arith.muli %arg1, %mul3A_152 : i32
      "tpu.region"() ({
        %run_scoped3A = tpu.sem_alloc : memref<!tpu.dma_semaphore, #tpu.memory_space<semaphore_mem>>
        %dma_start3A_154 = arith.constant 0 : i32
        %dma_start3A_155 = tpu.memref_slice %arg8[%dma_start3A_154] : memref<12504xf32, #tpu.memory_space<vmem>> -> memref<12504xf32, #tpu.memory_space<vmem>>
        %dma_start3A_156 = tpu.memref_slice %arg7[%mul3A_153] : memref<200000xf32, #tpu.memory_space<vmem_shared>> -> memref<12504xf32, #tpu.memory_space<vmem_shared>>
        %dma_start3A_157 = tpu.memref_slice %arg7[%mul3A_153] : memref<200000xf32, #tpu.memory_space<vmem_shared>> -> memref<12504xf32, #tpu.memory_space<vmem_shared>>
        %dma_start3A_158 = arith.constant 0 : i32
        %dma_start3A_159 = tpu.memref_slice %arg8[%dma_start3A_158] : memref<12504xf32, #tpu.memory_space<vmem>> -> memref<12504xf32, #tpu.memory_space<vmem>>
        tpu.enqueue_dma source(%dma_start3A_159 : memref<12504xf32, #tpu.memory_space<vmem>>) target(%dma_start3A_157 : memref<12504xf32, #tpu.memory_space<vmem_shared>>) target_semaphore(%run_scoped3A : memref<!tpu.dma_semaphore, #tpu.memory_space<semaphore_mem>>)
        %dma_wait3A_160 = arith.constant 0 : i32
        %dma_wait3A_161 = tpu.memref_slice %arg8[%dma_wait3A_160] : memref<12504xf32, #tpu.memory_space<vmem>> -> memref<12504xf32, #tpu.memory_space<vmem>>
        %dma_wait3A_162 = tpu.memref_slice %arg7[%mul3A_153] : memref<200000xf32, #tpu.memory_space<vmem_shared>> -> memref<12504xf32, #tpu.memory_space<vmem_shared>>
        %dma_wait3A_163 = tpu.memref_slice %arg7[%mul3A_153] : memref<200000xf32, #tpu.memory_space<vmem_shared>> -> memref<12504xf32, #tpu.memory_space<vmem_shared>>
        %dma_wait3A_164 = arith.constant 0 : i32
        %dma_wait3A_165 = tpu.memref_slice %arg8[%dma_wait3A_164] : memref<12504xf32, #tpu.memory_space<vmem>> -> memref<12504xf32, #tpu.memory_space<vmem>>
        tpu.wait_dma2 semaphore(%run_scoped3A : memref<!tpu.dma_semaphore, #tpu.memory_space<semaphore_mem>>) src(%dma_wait3A_165 : memref<12504xf32, #tpu.memory_space<vmem>>) dst(%dma_wait3A_163 : memref<12504xf32, #tpu.memory_space<vmem_shared>>)
        tpu.yield
      }) : () -> ()
    } else {
    }
    %eq3A_54 = arith.constant 15 : i32
    %eq3A_55 = arith.cmpi eq, %arg1, %eq3A_54 : i32
    %convert_element_type3A_56 = arith.extui %eq3A_55 : i1 to i32
    %cond3A_57 = arith.constant 0 : i32
    %cond3A_58 = arith.cmpi ne, %convert_element_type3A_56, %cond3A_57 : i32
    scf.if %cond3A_58 {
      "tpu.region"() ({
        %run_scoped3A = tpu.sem_alloc : memref<!tpu.dma_semaphore, #tpu.memory_space<semaphore_mem>>
        %dma_start3A_150 = arith.constant 0 : i32
        %dma_start3A_151 = tpu.memref_slice %arg8[%dma_start3A_150] : memref<12504xf32, #tpu.memory_space<vmem>> -> memref<12440xf32, #tpu.memory_space<vmem>>
        %dma_start3A_152 = arith.constant 187560 : i32
        %dma_start3A_153 = tpu.memref_slice %arg2[%dma_start3A_152] : memref<200000xf32, #tpu.memory_space<hbm>> -> memref<12440xf32, #tpu.memory_space<hbm>>
        %dma_start3A_154 = arith.constant 0 : i32
        %dma_start3A_155 = tpu.memref_slice %arg8[%dma_start3A_154] : memref<12504xf32, #tpu.memory_space<vmem>> -> memref<12440xf32, #tpu.memory_space<vmem>>
        %dma_start3A_156 = arith.constant 187560 : i32
        %dma_start3A_157 = tpu.memref_slice %arg2[%dma_start3A_156] : memref<200000xf32, #tpu.memory_space<hbm>> -> memref<12440xf32, #tpu.memory_space<hbm>>
        tpu.enqueue_dma source(%dma_start3A_157 : memref<12440xf32, #tpu.memory_space<hbm>>) target(%dma_start3A_155 : memref<12440xf32, #tpu.memory_space<vmem>>) target_semaphore(%run_scoped3A : memref<!tpu.dma_semaphore, #tpu.memory_space<semaphore_mem>>)
        %dma_wait3A_158 = arith.constant 0 : i32
        %dma_wait3A_159 = tpu.memref_slice %arg8[%dma_wait3A_158] : memref<12504xf32, #tpu.memory_space<vmem>> -> memref<12440xf32, #tpu.memory_space<vmem>>
        %dma_wait3A_160 = arith.constant 187560 : i32
        %dma_wait3A_161 = tpu.memref_slice %arg2[%dma_wait3A_160] : memref<200000xf32, #tpu.memory_space<hbm>> -> memref<12440xf32, #tpu.memory_space<hbm>>
        %dma_wait3A_162 = arith.constant 0 : i32
        %dma_wait3A_163 = tpu.memref_slice %arg8[%dma_wait3A_162] : memref<12504xf32, #tpu.memory_space<vmem>> -> memref<12440xf32, #tpu.memory_space<vmem>>
        %dma_wait3A_164 = arith.constant 187560 : i32
        %dma_wait3A_165 = tpu.memref_slice %arg2[%dma_wait3A_164] : memref<200000xf32, #tpu.memory_space<hbm>> -> memref<12440xf32, #tpu.memory_space<hbm>>
        tpu.wait_dma2 semaphore(%run_scoped3A : memref<!tpu.dma_semaphore, #tpu.memory_space<semaphore_mem>>) src(%dma_wait3A_165 : memref<12440xf32, #tpu.memory_space<hbm>>) dst(%dma_wait3A_163 : memref<12440xf32, #tpu.memory_space<vmem>>)
        tpu.yield
      }) : () -> ()
      "tpu.region"() ({
        %run_scoped3A = tpu.sem_alloc : memref<!tpu.dma_semaphore, #tpu.memory_space<semaphore_mem>>
        %dma_start3A_150 = arith.constant 0 : i32
        %dma_start3A_151 = tpu.memref_slice %arg8[%dma_start3A_150] : memref<12504xf32, #tpu.memory_space<vmem>> -> memref<12440xf32, #tpu.memory_space<vmem>>
        %dma_start3A_152 = arith.constant 187560 : i32
        %dma_start3A_153 = tpu.memref_slice %arg7[%dma_start3A_152] : memref<200000xf32, #tpu.memory_space<vmem_shared>> -> memref<12440xf32, #tpu.memory_space<vmem_shared>>
        %dma_start3A_154 = arith.constant 187560 : i32
        %dma_start3A_155 = tpu.memref_slice %arg7[%dma_start3A_154] : memref<200000xf32, #tpu.memory_space<vmem_shared>> -> memref<12440xf32, #tpu.memory_space<vmem_shared>>
        %dma_start3A_156 = arith.constant 0 : i32
        %dma_start3A_157 = tpu.memref_slice %arg8[%dma_start3A_156] : memref<12504xf32, #tpu.memory_space<vmem>> -> memref<12440xf32, #tpu.memory_space<vmem>>
        tpu.enqueue_dma source(%dma_start3A_157 : memref<12440xf32, #tpu.memory_space<vmem>>) target(%dma_start3A_155 : memref<12440xf32, #tpu.memory_space<vmem_shared>>) target_semaphore(%run_scoped3A : memref<!tpu.dma_semaphore, #tpu.memory_space<semaphore_mem>>)
        %dma_wait3A_158 = arith.constant 0 : i32
        %dma_wait3A_159 = tpu.memref_slice %arg8[%dma_wait3A_158] : memref<12504xf32, #tpu.memory_space<vmem>> -> memref<12440xf32, #tpu.memory_space<vmem>>
        %dma_wait3A_160 = arith.constant 187560 : i32
        %dma_wait3A_161 = tpu.memref_slice %arg7[%dma_wait3A_160] : memref<200000xf32, #tpu.memory_space<vmem_shared>> -> memref<12440xf32, #tpu.memory_space<vmem_shared>>
        %dma_wait3A_162 = arith.constant 187560 : i32
        %dma_wait3A_163 = tpu.memref_slice %arg7[%dma_wait3A_162] : memref<200000xf32, #tpu.memory_space<vmem_shared>> -> memref<12440xf32, #tpu.memory_space<vmem_shared>>
        %dma_wait3A_164 = arith.constant 0 : i32
        %dma_wait3A_165 = tpu.memref_slice %arg8[%dma_wait3A_164] : memref<12504xf32, #tpu.memory_space<vmem>> -> memref<12440xf32, #tpu.memory_space<vmem>>
        tpu.wait_dma2 semaphore(%run_scoped3A : memref<!tpu.dma_semaphore, #tpu.memory_space<semaphore_mem>>) src(%dma_wait3A_165 : memref<12440xf32, #tpu.memory_space<vmem>>) dst(%dma_wait3A_163 : memref<12440xf32, #tpu.memory_space<vmem_shared>>)
        tpu.yield
      }) : () -> ()
    } else {
    }
    %barrier3A = arith.constant 0 : index
    tpu.barrier barrier_id(%barrier3A)
    %dma_start3A_59 = arith.constant 0 : i32
    %dma_start3A_60 = tpu.memref_slice %arg10[%dma_start3A_59] : memref<4704xf32, #tpu.memory_space<vmem>> -> memref<2352xf32, #tpu.memory_space<vmem>>
    %dma_start3A_61 = arith.constant 0 : i32
    %dma_start3A_62 = tpu.memref_slice %arg9[%dma_start3A_61] : memref<4704xi32, #tpu.memory_space<vmem>> -> memref<2352xi32, #tpu.memory_space<vmem>>
    %dma_start3A_63 = arith.constant 0 : i32
    %dma_start3A_64 = tpu.memref_slice %arg7[%dma_start3A_63] : memref<200000xf32, #tpu.memory_space<vmem_shared>> -> memref<200000xf32, #tpu.memory_space<vmem_shared>>
    tpu.enqueue_indirect_dma source(%dma_start3A_64 : memref<200000xf32, #tpu.memory_space<vmem_shared>>) target(%dma_start3A_60 : memref<2352xf32, #tpu.memory_space<vmem>>) offsets(%dma_start3A_62 : memref<2352xi32, #tpu.memory_space<vmem>>) semaphore(%arg15 : memref<!tpu.dma_semaphore, #tpu.memory_space<semaphore_mem>>)
    %dma_start3A_65 = arith.constant 2352 : i32
    %dma_start3A_66 = tpu.memref_slice %arg10[%dma_start3A_65] : memref<4704xf32, #tpu.memory_space<vmem>> -> memref<2352xf32, #tpu.memory_space<vmem>>
    %dma_start3A_67 = arith.constant 2352 : i32
    %dma_start3A_68 = tpu.memref_slice %arg9[%dma_start3A_67] : memref<4704xi32, #tpu.memory_space<vmem>> -> memref<2352xi32, #tpu.memory_space<vmem>>
    %dma_start3A_69 = arith.constant 0 : i32
    %dma_start3A_70 = tpu.memref_slice %arg7[%dma_start3A_69] : memref<200000xf32, #tpu.memory_space<vmem_shared>> -> memref<200000xf32, #tpu.memory_space<vmem_shared>>
    tpu.enqueue_indirect_dma source(%dma_start3A_70 : memref<200000xf32, #tpu.memory_space<vmem_shared>>) target(%dma_start3A_66 : memref<2352xf32, #tpu.memory_space<vmem>>) offsets(%dma_start3A_68 : memref<2352xi32, #tpu.memory_space<vmem>>) semaphore(%arg15 : memref<!tpu.dma_semaphore, #tpu.memory_space<semaphore_mem>>)
    %dma_wait3A_71 = arith.constant 0 : i32
    %dma_wait3A_72 = tpu.memref_slice %arg10[%dma_wait3A_71] : memref<4704xf32, #tpu.memory_space<vmem>> -> memref<2352xf32, #tpu.memory_space<vmem>>
    %dma_wait3A_73 = arith.constant 0 : i32
    %dma_wait3A_74 = tpu.memref_slice %arg9[%dma_wait3A_73] : memref<4704xi32, #tpu.memory_space<vmem>> -> memref<2352xi32, #tpu.memory_space<vmem>>
    %dma_wait3A_75 = arith.constant 0 : i32
    %dma_wait3A_76 = tpu.memref_slice %arg7[%dma_wait3A_75] : memref<200000xf32, #tpu.memory_space<vmem_shared>> -> memref<200000xf32, #tpu.memory_space<vmem_shared>>
    tpu.wait_indirect_dma semaphore(%arg15 : memref<!tpu.dma_semaphore, #tpu.memory_space<semaphore_mem>>) src(%dma_wait3A_76 : memref<200000xf32, #tpu.memory_space<vmem_shared>>) dst(%dma_wait3A_72 : memref<2352xf32, #tpu.memory_space<vmem>>)
    %dma_wait3A_77 = arith.constant 2352 : i32
    %dma_wait3A_78 = tpu.memref_slice %arg10[%dma_wait3A_77] : memref<4704xf32, #tpu.memory_space<vmem>> -> memref<2352xf32, #tpu.memory_space<vmem>>
    %dma_wait3A_79 = arith.constant 2352 : i32
    %dma_wait3A_80 = tpu.memref_slice %arg9[%dma_wait3A_79] : memref<4704xi32, #tpu.memory_space<vmem>> -> memref<2352xi32, #tpu.memory_space<vmem>>
    %dma_wait3A_81 = arith.constant 0 : i32
    %dma_wait3A_82 = tpu.memref_slice %arg7[%dma_wait3A_81] : memref<200000xf32, #tpu.memory_space<vmem_shared>> -> memref<200000xf32, #tpu.memory_space<vmem_shared>>
    tpu.wait_indirect_dma semaphore(%arg15 : memref<!tpu.dma_semaphore, #tpu.memory_space<semaphore_mem>>) src(%dma_wait3A_82 : memref<200000xf32, #tpu.memory_space<vmem_shared>>) dst(%dma_wait3A_78 : memref<2352xf32, #tpu.memory_space<vmem>>)
    %broadcast_in_dim3A = arith.constant 0x7F800000 : f32
    %broadcast_in_dim3A_83 = vector.broadcast %broadcast_in_dim3A : f32 to vector<16xf32>
    %broadcast_in_dim3A_84 = arith.constant 0.000000e+00 : f32
    %broadcast_in_dim3A_85 = vector.broadcast %broadcast_in_dim3A_84 : f32 to vector<16xf32>
    %while3A = arith.constant 0 : i32
    %while3A_86 = arith.subi %select_n3A, %while3A : i32
    %while3A_87 = arith.addi %while3A, %while3A_86 : i32
    %while3A_88 = arith.constant 1 : i32
    %while3A_89 = arith.divsi %while3A_86, %while3A_88 : i32
    %while3A_90 = arith.muli %while3A_89, %while3A_88 : i32
    %while3A_91 = arith.addi %while3A, %while3A_90 : i32
    %while3A_92 = arith.constant 1 : i32
    %while3A_93:2 = scf.for %while3A_150 = %while3A to %while3A_91 step %while3A_92 iter_args(%while3A_151 = %broadcast_in_dim3A_83, %while3A_152 = %broadcast_in_dim3A_85) -> (vector<16xf32>, vector<16xf32>)  : i32 {
      %mul3A_153 = arith.constant 4 : i32
      %mul3A_154 = arith.muli %while3A_150, %mul3A_153 : i32
      %add3A_155 = arith.constant 0 : i32
      %add3A_156 = arith.addi %mul3A_154, %add3A_155 : i32
      %mul3A_157 = arith.constant 16 : i32
      %mul3A_158 = arith.muli %add3A_156, %mul3A_157 : i32
      %add3A_159 = arith.constant 0 : i32
      %add3A_160 = arith.addi %add3A_159, %mul3A_158 : i32
      %get3A = arith.index_cast %add3A_160 : i32 to index
      %get3A_161 = tpu.vector_load %arg10[%get3A] {strides = array<i32>} : memref<4704xf32, #tpu.memory_space<vmem>>, vector<16xf32>,
      %add3A_162 = arith.constant 1568 : i32
      %add3A_163 = arith.addi %add3A_162, %mul3A_158 : i32
      %get3A_164 = arith.index_cast %add3A_163 : i32 to index
      %get3A_165 = tpu.vector_load %arg10[%get3A_164] {strides = array<i32>} : memref<4704xf32, #tpu.memory_space<vmem>>, vector<16xf32>,
      %max3A = arith.maximumf %get3A_161, %get3A_165 : vector<16xf32>
      %add3A_166 = arith.constant 3136 : i32
      %add3A_167 = arith.addi %add3A_166, %mul3A_158 : i32
      %get3A_168 = arith.index_cast %add3A_167 : i32 to index
      %get3A_169 = tpu.vector_load %arg10[%get3A_168] {strides = array<i32>} : memref<4704xf32, #tpu.memory_space<vmem>>, vector<16xf32>,
      %max3A_170 = arith.maximumf %max3A, %get3A_169 : vector<16xf32>
      %swap3A_171 = arith.index_cast %mul3A_158 : i32 to index
      %swap3A_172 = tpu.vector_load %arg11[%swap3A_171] {strides = array<i32>} : memref<1568xf32, #tpu.memory_space<vmem>>, vector<16xf32>,
      tpu.vector_store %arg11[%swap3A_171], %max3A_170 {strides = array<i32>} : memref<1568xf32, #tpu.memory_space<vmem>>, vector<16xf32>,
      %min3A = arith.minimumf %while3A_151, %max3A_170 : vector<16xf32>
      %gt3A = arith.constant 0.000000e+00 : f32
      %gt3A_173 = vector.broadcast %gt3A : f32 to vector<16xf32>
      %gt3A_174 = arith.cmpf ogt, %max3A_170, %gt3A_173 : vector<16xf32>
      %jit3A_175 = arith.constant 1.000000e+00 : f32
      %jit3A_176 = arith.constant 0.000000e+00 : f32
      %broadcast_in_dim3A_177 = vector.broadcast %jit3A_175 : f32 to vector<16xf32>
      %broadcast_in_dim3A_178 = vector.broadcast %jit3A_176 : f32 to vector<16xf32>
      %select_n3A_179 = arith.select %gt3A_174, %broadcast_in_dim3A_177, %broadcast_in_dim3A_178 : vector<16xi1>, vector<16xf32>
      %add3A_180 = arith.addf %while3A_152, %select_n3A_179 : vector<16xf32>
      %mul3A_181 = arith.constant 4 : i32
      %mul3A_182 = arith.muli %while3A_150, %mul3A_181 : i32
      %add3A_183 = arith.constant 1 : i32
      %add3A_184 = arith.addi %mul3A_182, %add3A_183 : i32
      %mul3A_185 = arith.constant 16 : i32
      %mul3A_186 = arith.muli %add3A_184, %mul3A_185 : i32
      %add3A_187 = arith.constant 0 : i32
      %add3A_188 = arith.addi %add3A_187, %mul3A_186 : i32
      %get3A_189 = arith.index_cast %add3A_188 : i32 to index
      %get3A_190 = tpu.vector_load %arg10[%get3A_189] {strides = array<i32>} : memref<4704xf32, #tpu.memory_space<vmem>>, vector<16xf32>,
      %add3A_191 = arith.constant 1568 : i32
      %add3A_192 = arith.addi %add3A_191, %mul3A_186 : i32
      %get3A_193 = arith.index_cast %add3A_192 : i32 to index
      %get3A_194 = tpu.vector_load %arg10[%get3A_193] {strides = array<i32>} : memref<4704xf32, #tpu.memory_space<vmem>>, vector<16xf32>,
      %max3A_195 = arith.maximumf %get3A_190, %get3A_194 : vector<16xf32>
      %add3A_196 = arith.constant 3136 : i32
      %add3A_197 = arith.addi %add3A_196, %mul3A_186 : i32
      %get3A_198 = arith.index_cast %add3A_197 : i32 to index
      %get3A_199 = tpu.vector_load %arg10[%get3A_198] {strides = array<i32>} : memref<4704xf32, #tpu.memory_space<vmem>>, vector<16xf32>,
      %max3A_200 = arith.maximumf %max3A_195, %get3A_199 : vector<16xf32>
      %swap3A_201 = arith.index_cast %mul3A_186 : i32 to index
      %swap3A_202 = tpu.vector_load %arg11[%swap3A_201] {strides = array<i32>} : memref<1568xf32, #tpu.memory_space<vmem>>, vector<16xf32>,
      tpu.vector_store %arg11[%swap3A_201], %max3A_200 {strides = array<i32>} : memref<1568xf32, #tpu.memory_space<vmem>>, vector<16xf32>,
      %min3A_203 = arith.minimumf %min3A, %max3A_200 : vector<16xf32>
      %gt3A_204 = arith.constant 0.000000e+00 : f32
      %gt3A_205 = vector.broadcast %gt3A_204 : f32 to vector<16xf32>
      %gt3A_206 = arith.cmpf ogt, %max3A_200, %gt3A_205 : vector<16xf32>
      %jit3A_207 = arith.constant 1.000000e+00 : f32
      %jit3A_208 = arith.constant 0.000000e+00 : f32
      %broadcast_in_dim3A_209 = vector.broadcast %jit3A_207 : f32 to vector<16xf32>
      %broadcast_in_dim3A_210 = vector.broadcast %jit3A_208 : f32 to vector<16xf32>
      %select_n3A_211 = arith.select %gt3A_206, %broadcast_in_dim3A_209, %broadcast_in_dim3A_210 : vector<16xi1>, vector<16xf32>
      %add3A_212 = arith.addf %add3A_180, %select_n3A_211 : vector<16xf32>
      %mul3A_213 = arith.constant 4 : i32
      %mul3A_214 = arith.muli %while3A_150, %mul3A_213 : i32
      %add3A_215 = arith.constant 2 : i32
      %add3A_216 = arith.addi %mul3A_214, %add3A_215 : i32
      %mul3A_217 = arith.constant 16 : i32
      %mul3A_218 = arith.muli %add3A_216, %mul3A_217 : i32
      %add3A_219 = arith.constant 0 : i32
      %add3A_220 = arith.addi %add3A_219, %mul3A_218 : i32
      %get3A_221 = arith.index_cast %add3A_220 : i32 to index
      %get3A_222 = tpu.vector_load %arg10[%get3A_221] {strides = array<i32>} : memref<4704xf32, #tpu.memory_space<vmem>>, vector<16xf32>,
      %add3A_223 = arith.constant 1568 : i32
      %add3A_224 = arith.addi %add3A_223, %mul3A_218 : i32
      %get3A_225 = arith.index_cast %add3A_224 : i32 to index
      %get3A_226 = tpu.vector_load %arg10[%get3A_225] {strides = array<i32>} : memref<4704xf32, #tpu.memory_space<vmem>>, vector<16xf32>,
      %max3A_227 = arith.maximumf %get3A_222, %get3A_226 : vector<16xf32>
      %add3A_228 = arith.constant 3136 : i32
      %add3A_229 = arith.addi %add3A_228, %mul3A_218 : i32
      %get3A_230 = arith.index_cast %add3A_229 : i32 to index
      %get3A_231 = tpu.vector_load %arg10[%get3A_230] {strides = array<i32>} : memref<4704xf32, #tpu.memory_space<vmem>>, vector<16xf32>,
      %max3A_232 = arith.maximumf %max3A_227, %get3A_231 : vector<16xf32>
      %swap3A_233 = arith.index_cast %mul3A_218 : i32 to index
      %swap3A_234 = tpu.vector_load %arg11[%swap3A_233] {strides = array<i32>} : memref<1568xf32, #tpu.memory_space<vmem>>, vector<16xf32>,
      tpu.vector_store %arg11[%swap3A_233], %max3A_232 {strides = array<i32>} : memref<1568xf32, #tpu.memory_space<vmem>>, vector<16xf32>,
      %min3A_235 = arith.minimumf %min3A_203, %max3A_232 : vector<16xf32>
      %gt3A_236 = arith.constant 0.000000e+00 : f32
      %gt3A_237 = vector.broadcast %gt3A_236 : f32 to vector<16xf32>
      %gt3A_238 = arith.cmpf ogt, %max3A_232, %gt3A_237 : vector<16xf32>
      %jit3A_239 = arith.constant 1.000000e+00 : f32
      %jit3A_240 = arith.constant 0.000000e+00 : f32
      %broadcast_in_dim3A_241 = vector.broadcast %jit3A_239 : f32 to vector<16xf32>
      %broadcast_in_dim3A_242 = vector.broadcast %jit3A_240 : f32 to vector<16xf32>
      %select_n3A_243 = arith.select %gt3A_238, %broadcast_in_dim3A_241, %broadcast_in_dim3A_242 : vector<16xi1>, vector<16xf32>
      %add3A_244 = arith.addf %add3A_212, %select_n3A_243 : vector<16xf32>
      %mul3A_245 = arith.constant 4 : i32
      %mul3A_246 = arith.muli %while3A_150, %mul3A_245 : i32
      %add3A_247 = arith.constant 3 : i32
      %add3A_248 = arith.addi %mul3A_246, %add3A_247 : i32
      %mul3A_249 = arith.constant 16 : i32
      %mul3A_250 = arith.muli %add3A_248, %mul3A_249 : i32
      %add3A_251 = arith.constant 0 : i32
      %add3A_252 = arith.addi %add3A_251, %mul3A_250 : i32
      %get3A_253 = arith.index_cast %add3A_252 : i32 to index
      %get3A_254 = tpu.vector_load %arg10[%get3A_253] {strides = array<i32>} : memref<4704xf32, #tpu.memory_space<vmem>>, vector<16xf32>,
      %add3A_255 = arith.constant 1568 : i32
      %add3A_256 = arith.addi %add3A_255, %mul3A_250 : i32
      %get3A_257 = arith.index_cast %add3A_256 : i32 to index
      %get3A_258 = tpu.vector_load %arg10[%get3A_257] {strides = array<i32>} : memref<4704xf32, #tpu.memory_space<vmem>>, vector<16xf32>,
      %max3A_259 = arith.maximumf %get3A_254, %get3A_258 : vector<16xf32>
      %add3A_260 = arith.constant 3136 : i32
      %add3A_261 = arith.addi %add3A_260, %mul3A_250 : i32
      %get3A_262 = arith.index_cast %add3A_261 : i32 to index
      %get3A_263 = tpu.vector_load %arg10[%get3A_262] {strides = array<i32>} : memref<4704xf32, #tpu.memory_space<vmem>>, vector<16xf32>,
      %max3A_264 = arith.maximumf %max3A_259, %get3A_263 : vector<16xf32>
      %swap3A_265 = arith.index_cast %mul3A_250 : i32 to index
      %swap3A_266 = tpu.vector_load %arg11[%swap3A_265] {strides = array<i32>} : memref<1568xf32, #tpu.memory_space<vmem>>, vector<16xf32>,
      tpu.vector_store %arg11[%swap3A_265], %max3A_264 {strides = array<i32>} : memref<1568xf32, #tpu.memory_space<vmem>>, vector<16xf32>,
      %min3A_267 = arith.minimumf %min3A_235, %max3A_264 : vector<16xf32>
      %gt3A_268 = arith.constant 0.000000e+00 : f32
      %gt3A_269 = vector.broadcast %gt3A_268 : f32 to vector<16xf32>
      %gt3A_270 = arith.cmpf ogt, %max3A_264, %gt3A_269 : vector<16xf32>
      %jit3A_271 = arith.constant 1.000000e+00 : f32
      %jit3A_272 = arith.constant 0.000000e+00 : f32
      %broadcast_in_dim3A_273 = vector.broadcast %jit3A_271 : f32 to vector<16xf32>
      %broadcast_in_dim3A_274 = vector.broadcast %jit3A_272 : f32 to vector<16xf32>
      %select_n3A_275 = arith.select %gt3A_270, %broadcast_in_dim3A_273, %broadcast_in_dim3A_274 : vector<16xi1>, vector<16xf32>
      %add3A_276 = arith.addf %add3A_244, %select_n3A_275 : vector<16xf32>
      scf.yield %min3A_267, %add3A_276 : vector<16xf32>, vector<16xf32>
    }
    %while3A_94 = arith.constant 1 : i32
    %while3A_95:2 = scf.for %while3A_150 = %while3A_91 to %while3A_87 step %while3A_94 iter_args(%while3A_151 = %while3A_93#0, %while3A_152 = %while3A_93#1) -> (vector<16xf32>, vector<16xf32>)  : i32 {
      %mul3A_153 = arith.constant 4 : i32
      %mul3A_154 = arith.muli %while3A_150, %mul3A_153 : i32
      %add3A_155 = arith.constant 0 : i32
      %add3A_156 = arith.addi %mul3A_154, %add3A_155 : i32
      %mul3A_157 = arith.constant 16 : i32
      %mul3A_158 = arith.muli %add3A_156, %mul3A_157 : i32
      %add3A_159 = arith.constant 0 : i32
      %add3A_160 = arith.addi %add3A_159, %mul3A_158 : i32
      %get3A = arith.index_cast %add3A_160 : i32 to index
      %get3A_161 = tpu.vector_load %arg10[%get3A] {strides = array<i32>} : memref<4704xf32, #tpu.memory_space<vmem>>, vector<16xf32>,
      %add3A_162 = arith.constant 1568 : i32
      %add3A_163 = arith.addi %add3A_162, %mul3A_158 : i32
      %get3A_164 = arith.index_cast %add3A_163 : i32 to index
      %get3A_165 = tpu.vector_load %arg10[%get3A_164] {strides = array<i32>} : memref<4704xf32, #tpu.memory_space<vmem>>, vector<16xf32>,
      %max3A = arith.maximumf %get3A_161, %get3A_165 : vector<16xf32>
      %add3A_166 = arith.constant 3136 : i32
      %add3A_167 = arith.addi %add3A_166, %mul3A_158 : i32
      %get3A_168 = arith.index_cast %add3A_167 : i32 to index
      %get3A_169 = tpu.vector_load %arg10[%get3A_168] {strides = array<i32>} : memref<4704xf32, #tpu.memory_space<vmem>>, vector<16xf32>,
      %max3A_170 = arith.maximumf %max3A, %get3A_169 : vector<16xf32>
      %swap3A_171 = arith.index_cast %mul3A_158 : i32 to index
      %swap3A_172 = tpu.vector_load %arg11[%swap3A_171] {strides = array<i32>} : memref<1568xf32, #tpu.memory_space<vmem>>, vector<16xf32>,
      tpu.vector_store %arg11[%swap3A_171], %max3A_170 {strides = array<i32>} : memref<1568xf32, #tpu.memory_space<vmem>>, vector<16xf32>,
      %min3A = arith.minimumf %while3A_151, %max3A_170 : vector<16xf32>
      %gt3A = arith.constant 0.000000e+00 : f32
      %gt3A_173 = vector.broadcast %gt3A : f32 to vector<16xf32>
      %gt3A_174 = arith.cmpf ogt, %max3A_170, %gt3A_173 : vector<16xf32>
      %jit3A_175 = arith.constant 1.000000e+00 : f32
      %jit3A_176 = arith.constant 0.000000e+00 : f32
      %broadcast_in_dim3A_177 = vector.broadcast %jit3A_175 : f32 to vector<16xf32>
      %broadcast_in_dim3A_178 = vector.broadcast %jit3A_176 : f32 to vector<16xf32>
      %select_n3A_179 = arith.select %gt3A_174, %broadcast_in_dim3A_177, %broadcast_in_dim3A_178 : vector<16xi1>, vector<16xf32>
      %add3A_180 = arith.addf %while3A_152, %select_n3A_179 : vector<16xf32>
      %mul3A_181 = arith.constant 4 : i32
      %mul3A_182 = arith.muli %while3A_150, %mul3A_181 : i32
      %add3A_183 = arith.constant 1 : i32
      %add3A_184 = arith.addi %mul3A_182, %add3A_183 : i32
      %mul3A_185 = arith.constant 16 : i32
      %mul3A_186 = arith.muli %add3A_184, %mul3A_185 : i32
      %add3A_187 = arith.constant 0 : i32
      %add3A_188 = arith.addi %add3A_187, %mul3A_186 : i32
      %get3A_189 = arith.index_cast %add3A_188 : i32 to index
      %get3A_190 = tpu.vector_load %arg10[%get3A_189] {strides = array<i32>} : memref<4704xf32, #tpu.memory_space<vmem>>, vector<16xf32>,
      %add3A_191 = arith.constant 1568 : i32
      %add3A_192 = arith.addi %add3A_191, %mul3A_186 : i32
      %get3A_193 = arith.index_cast %add3A_192 : i32 to index
      %get3A_194 = tpu.vector_load %arg10[%get3A_193] {strides = array<i32>} : memref<4704xf32, #tpu.memory_space<vmem>>, vector<16xf32>,
      %max3A_195 = arith.maximumf %get3A_190, %get3A_194 : vector<16xf32>
      %add3A_196 = arith.constant 3136 : i32
      %add3A_197 = arith.addi %add3A_196, %mul3A_186 : i32
      %get3A_198 = arith.index_cast %add3A_197 : i32 to index
      %get3A_199 = tpu.vector_load %arg10[%get3A_198] {strides = array<i32>} : memref<4704xf32, #tpu.memory_space<vmem>>, vector<16xf32>,
      %max3A_200 = arith.maximumf %max3A_195, %get3A_199 : vector<16xf32>
      %swap3A_201 = arith.index_cast %mul3A_186 : i32 to index
      %swap3A_202 = tpu.vector_load %arg11[%swap3A_201] {strides = array<i32>} : memref<1568xf32, #tpu.memory_space<vmem>>, vector<16xf32>,
      tpu.vector_store %arg11[%swap3A_201], %max3A_200 {strides = array<i32>} : memref<1568xf32, #tpu.memory_space<vmem>>, vector<16xf32>,
      %min3A_203 = arith.minimumf %min3A, %max3A_200 : vector<16xf32>
      %gt3A_204 = arith.constant 0.000000e+00 : f32
      %gt3A_205 = vector.broadcast %gt3A_204 : f32 to vector<16xf32>
      %gt3A_206 = arith.cmpf ogt, %max3A_200, %gt3A_205 : vector<16xf32>
      %jit3A_207 = arith.constant 1.000000e+00 : f32
      %jit3A_208 = arith.constant 0.000000e+00 : f32
      %broadcast_in_dim3A_209 = vector.broadcast %jit3A_207 : f32 to vector<16xf32>
      %broadcast_in_dim3A_210 = vector.broadcast %jit3A_208 : f32 to vector<16xf32>
      %select_n3A_211 = arith.select %gt3A_206, %broadcast_in_dim3A_209, %broadcast_in_dim3A_210 : vector<16xi1>, vector<16xf32>
      %add3A_212 = arith.addf %add3A_180, %select_n3A_211 : vector<16xf32>
      %mul3A_213 = arith.constant 4 : i32
      %mul3A_214 = arith.muli %while3A_150, %mul3A_213 : i32
      %add3A_215 = arith.constant 2 : i32
      %add3A_216 = arith.addi %mul3A_214, %add3A_215 : i32
      %mul3A_217 = arith.constant 16 : i32
      %mul3A_218 = arith.muli %add3A_216, %mul3A_217 : i32
      %add3A_219 = arith.constant 0 : i32
      %add3A_220 = arith.addi %add3A_219, %mul3A_218 : i32
      %get3A_221 = arith.index_cast %add3A_220 : i32 to index
      %get3A_222 = tpu.vector_load %arg10[%get3A_221] {strides = array<i32>} : memref<4704xf32, #tpu.memory_space<vmem>>, vector<16xf32>,
      %add3A_223 = arith.constant 1568 : i32
      %add3A_224 = arith.addi %add3A_223, %mul3A_218 : i32
      %get3A_225 = arith.index_cast %add3A_224 : i32 to index
      %get3A_226 = tpu.vector_load %arg10[%get3A_225] {strides = array<i32>} : memref<4704xf32, #tpu.memory_space<vmem>>, vector<16xf32>,
      %max3A_227 = arith.maximumf %get3A_222, %get3A_226 : vector<16xf32>
      %add3A_228 = arith.constant 3136 : i32
      %add3A_229 = arith.addi %add3A_228, %mul3A_218 : i32
      %get3A_230 = arith.index_cast %add3A_229 : i32 to index
      %get3A_231 = tpu.vector_load %arg10[%get3A_230] {strides = array<i32>} : memref<4704xf32, #tpu.memory_space<vmem>>, vector<16xf32>,
      %max3A_232 = arith.maximumf %max3A_227, %get3A_231 : vector<16xf32>
      %swap3A_233 = arith.index_cast %mul3A_218 : i32 to index
      %swap3A_234 = tpu.vector_load %arg11[%swap3A_233] {strides = array<i32>} : memref<1568xf32, #tpu.memory_space<vmem>>, vector<16xf32>,
      tpu.vector_store %arg11[%swap3A_233], %max3A_232 {strides = array<i32>} : memref<1568xf32, #tpu.memory_space<vmem>>, vector<16xf32>,
      %min3A_235 = arith.minimumf %min3A_203, %max3A_232 : vector<16xf32>
      %gt3A_236 = arith.constant 0.000000e+00 : f32
      %gt3A_237 = vector.broadcast %gt3A_236 : f32 to vector<16xf32>
      %gt3A_238 = arith.cmpf ogt, %max3A_232, %gt3A_237 : vector<16xf32>
      %jit3A_239 = arith.constant 1.000000e+00 : f32
      %jit3A_240 = arith.constant 0.000000e+00 : f32
      %broadcast_in_dim3A_241 = vector.broadcast %jit3A_239 : f32 to vector<16xf32>
      %broadcast_in_dim3A_242 = vector.broadcast %jit3A_240 : f32 to vector<16xf32>
      %select_n3A_243 = arith.select %gt3A_238, %broadcast_in_dim3A_241, %broadcast_in_dim3A_242 : vector<16xi1>, vector<16xf32>
      %add3A_244 = arith.addf %add3A_212, %select_n3A_243 : vector<16xf32>
      %mul3A_245 = arith.constant 4 : i32
      %mul3A_246 = arith.muli %while3A_150, %mul3A_245 : i32
      %add3A_247 = arith.constant 3 : i32
      %add3A_248 = arith.addi %mul3A_246, %add3A_247 : i32
      %mul3A_249 = arith.constant 16 : i32
      %mul3A_250 = arith.muli %add3A_248, %mul3A_249 : i32
      %add3A_251 = arith.constant 0 : i32
      %add3A_252 = arith.addi %add3A_251, %mul3A_250 : i32
      %get3A_253 = arith.index_cast %add3A_252 : i32 to index
      %get3A_254 = tpu.vector_load %arg10[%get3A_253] {strides = array<i32>} : memref<4704xf32, #tpu.memory_space<vmem>>, vector<16xf32>,
      %add3A_255 = arith.constant 1568 : i32
      %add3A_256 = arith.addi %add3A_255, %mul3A_250 : i32
      %get3A_257 = arith.index_cast %add3A_256 : i32 to index
      %get3A_258 = tpu.vector_load %arg10[%get3A_257] {strides = array<i32>} : memref<4704xf32, #tpu.memory_space<vmem>>, vector<16xf32>,
      %max3A_259 = arith.maximumf %get3A_254, %get3A_258 : vector<16xf32>
      %add3A_260 = arith.constant 3136 : i32
      %add3A_261 = arith.addi %add3A_260, %mul3A_250 : i32
      %get3A_262 = arith.index_cast %add3A_261 : i32 to index
      %get3A_263 = tpu.vector_load %arg10[%get3A_262] {strides = array<i32>} : memref<4704xf32, #tpu.memory_space<vmem>>, vector<16xf32>,
      %max3A_264 = arith.maximumf %max3A_259, %get3A_263 : vector<16xf32>
      %swap3A_265 = arith.index_cast %mul3A_250 : i32 to index
      %swap3A_266 = tpu.vector_load %arg11[%swap3A_265] {strides = array<i32>} : memref<1568xf32, #tpu.memory_space<vmem>>, vector<16xf32>,
      tpu.vector_store %arg11[%swap3A_265], %max3A_264 {strides = array<i32>} : memref<1568xf32, #tpu.memory_space<vmem>>, vector<16xf32>,
      %min3A_267 = arith.minimumf %min3A_235, %max3A_264 : vector<16xf32>
      %gt3A_268 = arith.constant 0.000000e+00 : f32
      %gt3A_269 = vector.broadcast %gt3A_268 : f32 to vector<16xf32>
      %gt3A_270 = arith.cmpf ogt, %max3A_264, %gt3A_269 : vector<16xf32>
      %jit3A_271 = arith.constant 1.000000e+00 : f32
      %jit3A_272 = arith.constant 0.000000e+00 : f32
      %broadcast_in_dim3A_273 = vector.broadcast %jit3A_271 : f32 to vector<16xf32>
      %broadcast_in_dim3A_274 = vector.broadcast %jit3A_272 : f32 to vector<16xf32>
      %select_n3A_275 = arith.select %gt3A_270, %broadcast_in_dim3A_273, %broadcast_in_dim3A_274 : vector<16xi1>, vector<16xf32>
      %add3A_276 = arith.addf %add3A_244, %select_n3A_275 : vector<16xf32>
      scf.yield %min3A_267, %add3A_276 : vector<16xf32>, vector<16xf32>
    }
    %mul3A_96 = arith.constant 4 : i32
    %mul3A_97 = arith.muli %select_n3A, %mul3A_96 : i32
    %while3A_98 = arith.subi %select_n3A_5, %mul3A_97 : i32
    %while3A_99 = arith.addi %mul3A_97, %while3A_98 : i32
    %while3A_100 = arith.constant 1 : i32
    %while3A_101 = arith.divsi %while3A_98, %while3A_100 : i32
    %while3A_102 = arith.muli %while3A_101, %while3A_100 : i32
    %while3A_103 = arith.addi %mul3A_97, %while3A_102 : i32
    %while3A_104 = arith.constant 1 : i32
    %while3A_105:2 = scf.for %while3A_150 = %mul3A_97 to %while3A_103 step %while3A_104 iter_args(%while3A_151 = %while3A_95#0, %while3A_152 = %while3A_95#1) -> (vector<16xf32>, vector<16xf32>)  : i32 {
      %mul3A_153 = arith.constant 16 : i32
      %mul3A_154 = arith.muli %while3A_150, %mul3A_153 : i32
      %add3A_155 = arith.constant 0 : i32
      %add3A_156 = arith.addi %add3A_155, %mul3A_154 : i32
      %get3A = arith.index_cast %add3A_156 : i32 to index
      %get3A_157 = tpu.vector_load %arg10[%get3A] {strides = array<i32>} : memref<4704xf32, #tpu.memory_space<vmem>>, vector<16xf32>,
      %add3A_158 = arith.constant 1568 : i32
      %add3A_159 = arith.addi %add3A_158, %mul3A_154 : i32
      %get3A_160 = arith.index_cast %add3A_159 : i32 to index
      %get3A_161 = tpu.vector_load %arg10[%get3A_160] {strides = array<i32>} : memref<4704xf32, #tpu.memory_space<vmem>>, vector<16xf32>,
      %max3A = arith.maximumf %get3A_157, %get3A_161 : vector<16xf32>
      %add3A_162 = arith.constant 3136 : i32
      %add3A_163 = arith.addi %add3A_162, %mul3A_154 : i32
      %get3A_164 = arith.index_cast %add3A_163 : i32 to index
      %get3A_165 = tpu.vector_load %arg10[%get3A_164] {strides = array<i32>} : memref<4704xf32, #tpu.memory_space<vmem>>, vector<16xf32>,
      %max3A_166 = arith.maximumf %max3A, %get3A_165 : vector<16xf32>
      %swap3A_167 = arith.index_cast %mul3A_154 : i32 to index
      %swap3A_168 = tpu.vector_load %arg11[%swap3A_167] {strides = array<i32>} : memref<1568xf32, #tpu.memory_space<vmem>>, vector<16xf32>,
      tpu.vector_store %arg11[%swap3A_167], %max3A_166 {strides = array<i32>} : memref<1568xf32, #tpu.memory_space<vmem>>, vector<16xf32>,
      %min3A = arith.minimumf %while3A_151, %max3A_166 : vector<16xf32>
      %gt3A = arith.constant 0.000000e+00 : f32
      %gt3A_169 = vector.broadcast %gt3A : f32 to vector<16xf32>
      %gt3A_170 = arith.cmpf ogt, %max3A_166, %gt3A_169 : vector<16xf32>
      %jit3A_171 = arith.constant 1.000000e+00 : f32
      %jit3A_172 = arith.constant 0.000000e+00 : f32
      %broadcast_in_dim3A_173 = vector.broadcast %jit3A_171 : f32 to vector<16xf32>
      %broadcast_in_dim3A_174 = vector.broadcast %jit3A_172 : f32 to vector<16xf32>
      %select_n3A_175 = arith.select %gt3A_170, %broadcast_in_dim3A_173, %broadcast_in_dim3A_174 : vector<16xi1>, vector<16xf32>
      %add3A_176 = arith.addf %while3A_152, %select_n3A_175 : vector<16xf32>
      scf.yield %min3A, %add3A_176 : vector<16xf32>, vector<16xf32>
    }
    %while3A_106 = arith.constant 1 : i32
    %while3A_107:2 = scf.for %while3A_150 = %while3A_103 to %while3A_99 step %while3A_106 iter_args(%while3A_151 = %while3A_105#0, %while3A_152 = %while3A_105#1) -> (vector<16xf32>, vector<16xf32>)  : i32 {
      %mul3A_153 = arith.constant 16 : i32
      %mul3A_154 = arith.muli %while3A_150, %mul3A_153 : i32
      %add3A_155 = arith.constant 0 : i32
      %add3A_156 = arith.addi %add3A_155, %mul3A_154 : i32
      %get3A = arith.index_cast %add3A_156 : i32 to index
      %get3A_157 = tpu.vector_load %arg10[%get3A] {strides = array<i32>} : memref<4704xf32, #tpu.memory_space<vmem>>, vector<16xf32>,
      %add3A_158 = arith.constant 1568 : i32
      %add3A_159 = arith.addi %add3A_158, %mul3A_154 : i32
      %get3A_160 = arith.index_cast %add3A_159 : i32 to index
      %get3A_161 = tpu.vector_load %arg10[%get3A_160] {strides = array<i32>} : memref<4704xf32, #tpu.memory_space<vmem>>, vector<16xf32>,
      %max3A = arith.maximumf %get3A_157, %get3A_161 : vector<16xf32>
      %add3A_162 = arith.constant 3136 : i32
      %add3A_163 = arith.addi %add3A_162, %mul3A_154 : i32
      %get3A_164 = arith.index_cast %add3A_163 : i32 to index
      %get3A_165 = tpu.vector_load %arg10[%get3A_164] {strides = array<i32>} : memref<4704xf32, #tpu.memory_space<vmem>>, vector<16xf32>,
      %max3A_166 = arith.maximumf %max3A, %get3A_165 : vector<16xf32>
      %swap3A_167 = arith.index_cast %mul3A_154 : i32 to index
      %swap3A_168 = tpu.vector_load %arg11[%swap3A_167] {strides = array<i32>} : memref<1568xf32, #tpu.memory_space<vmem>>, vector<16xf32>,
      tpu.vector_store %arg11[%swap3A_167], %max3A_166 {strides = array<i32>} : memref<1568xf32, #tpu.memory_space<vmem>>, vector<16xf32>,
      %min3A = arith.minimumf %while3A_151, %max3A_166 : vector<16xf32>
      %gt3A = arith.constant 0.000000e+00 : f32
      %gt3A_169 = vector.broadcast %gt3A : f32 to vector<16xf32>
      %gt3A_170 = arith.cmpf ogt, %max3A_166, %gt3A_169 : vector<16xf32>
      %jit3A_171 = arith.constant 1.000000e+00 : f32
      %jit3A_172 = arith.constant 0.000000e+00 : f32
      %broadcast_in_dim3A_173 = vector.broadcast %jit3A_171 : f32 to vector<16xf32>
      %broadcast_in_dim3A_174 = vector.broadcast %jit3A_172 : f32 to vector<16xf32>
      %select_n3A_175 = arith.select %gt3A_170, %broadcast_in_dim3A_173, %broadcast_in_dim3A_174 : vector<16xi1>, vector<16xf32>
      %add3A_176 = arith.addf %while3A_152, %select_n3A_175 : vector<16xf32>
      scf.yield %min3A, %add3A_176 : vector<16xf32>, vector<16xf32>
    }
    %while3A_108 = arith.constant 0 : i32
    %while3A_109 = arith.constant 0 : i32
    %while3A_110 = arith.subi %select_n3A, %while3A_109 : i32
    %while3A_111 = arith.addi %while3A_109, %while3A_110 : i32
    %while3A_112 = arith.constant 1 : i32
    %while3A_113 = arith.divsi %while3A_110, %while3A_112 : i32
    %while3A_114 = arith.muli %while3A_113, %while3A_112 : i32
    %while3A_115 = arith.addi %while3A_109, %while3A_114 : i32
    %while3A_116 = arith.constant 1 : i32
    scf.for %while3A_150 = %while3A_109 to %while3A_115 step %while3A_116  : i32 {
      %mul3A_151 = arith.constant 4 : i32
      %mul3A_152 = arith.muli %while3A_150, %mul3A_151 : i32
      %add3A_153 = arith.constant 0 : i32
      %add3A_154 = arith.addi %mul3A_152, %add3A_153 : i32
      %mul3A_155 = arith.constant 16 : i32
      %mul3A_156 = arith.muli %add3A_154, %mul3A_155 : i32
      %get3A = arith.index_cast %mul3A_156 : i32 to index
      %get3A_157 = tpu.vector_load %arg11[%get3A] {strides = array<i32>} : memref<1568xf32, #tpu.memory_space<vmem>>, vector<16xf32>,
      %neg3A_158 = arith.constant 0.000000e+00 : f32
      %neg3A_159 = vector.broadcast %neg3A_158 : f32 to vector<16xf32>
      %neg3A_160 = arith.subf %neg3A_159, %get3A_157 : vector<16xf32>
      %exp3A_161 = math.exp %neg3A_160 : vector<16xf32>
      %add3A_162 = arith.constant 1.000000e+00 : f32
      %add3A_163 = vector.broadcast %add3A_162 : f32 to vector<16xf32>
      %add3A_164 = arith.addf %add3A_163, %exp3A_161 : vector<16xf32>
      %div3A_165 = arith.constant 1.000000e+00 : f32
      %div3A_166 = vector.broadcast %div3A_165 : f32 to vector<16xf32>
      %div3A_167 = arith.divf %div3A_166, %add3A_164 : vector<16xf32>
      %swap3A_168 = arith.index_cast %mul3A_156 : i32 to index
      %swap3A_169 = tpu.vector_load %arg12[%swap3A_168] {strides = array<i32>} : memref<1568xf32, #tpu.memory_space<vmem>>, vector<16xf32>,
      tpu.vector_store %arg12[%swap3A_168], %div3A_167 {strides = array<i32>} : memref<1568xf32, #tpu.memory_space<vmem>>, vector<16xf32>,
      %mul3A_170 = arith.constant 4 : i32
      %mul3A_171 = arith.muli %while3A_150, %mul3A_170 : i32
      %add3A_172 = arith.constant 1 : i32
      %add3A_173 = arith.addi %mul3A_171, %add3A_172 : i32
      %mul3A_174 = arith.constant 16 : i32
      %mul3A_175 = arith.muli %add3A_173, %mul3A_174 : i32
      %get3A_176 = arith.index_cast %mul3A_175 : i32 to index
      %get3A_177 = tpu.vector_load %arg11[%get3A_176] {strides = array<i32>} : memref<1568xf32, #tpu.memory_space<vmem>>, vector<16xf32>,
      %neg3A_178 = arith.constant 0.000000e+00 : f32
      %neg3A_179 = vector.broadcast %neg3A_178 : f32 to vector<16xf32>
      %neg3A_180 = arith.subf %neg3A_179, %get3A_177 : vector<16xf32>
      %exp3A_181 = math.exp %neg3A_180 : vector<16xf32>
      %add3A_182 = arith.constant 1.000000e+00 : f32
      %add3A_183 = vector.broadcast %add3A_182 : f32 to vector<16xf32>
      %add3A_184 = arith.addf %add3A_183, %exp3A_181 : vector<16xf32>
      %div3A_185 = arith.constant 1.000000e+00 : f32
      %div3A_186 = vector.broadcast %div3A_185 : f32 to vector<16xf32>
      %div3A_187 = arith.divf %div3A_186, %add3A_184 : vector<16xf32>
      %swap3A_188 = arith.index_cast %mul3A_175 : i32 to index
      %swap3A_189 = tpu.vector_load %arg12[%swap3A_188] {strides = array<i32>} : memref<1568xf32, #tpu.memory_space<vmem>>, vector<16xf32>,
      tpu.vector_store %arg12[%swap3A_188], %div3A_187 {strides = array<i32>} : memref<1568xf32, #tpu.memory_space<vmem>>, vector<16xf32>,
      %mul3A_190 = arith.constant 4 : i32
      %mul3A_191 = arith.muli %while3A_150, %mul3A_190 : i32
      %add3A_192 = arith.constant 2 : i32
      %add3A_193 = arith.addi %mul3A_191, %add3A_192 : i32
      %mul3A_194 = arith.constant 16 : i32
      %mul3A_195 = arith.muli %add3A_193, %mul3A_194 : i32
      %get3A_196 = arith.index_cast %mul3A_195 : i32 to index
      %get3A_197 = tpu.vector_load %arg11[%get3A_196] {strides = array<i32>} : memref<1568xf32, #tpu.memory_space<vmem>>, vector<16xf32>,
      %neg3A_198 = arith.constant 0.000000e+00 : f32
      %neg3A_199 = vector.broadcast %neg3A_198 : f32 to vector<16xf32>
      %neg3A_200 = arith.subf %neg3A_199, %get3A_197 : vector<16xf32>
      %exp3A_201 = math.exp %neg3A_200 : vector<16xf32>
      %add3A_202 = arith.constant 1.000000e+00 : f32
      %add3A_203 = vector.broadcast %add3A_202 : f32 to vector<16xf32>
      %add3A_204 = arith.addf %add3A_203, %exp3A_201 : vector<16xf32>
      %div3A_205 = arith.constant 1.000000e+00 : f32
      %div3A_206 = vector.broadcast %div3A_205 : f32 to vector<16xf32>
      %div3A_207 = arith.divf %div3A_206, %add3A_204 : vector<16xf32>
      %swap3A_208 = arith.index_cast %mul3A_195 : i32 to index
      %swap3A_209 = tpu.vector_load %arg12[%swap3A_208] {strides = array<i32>} : memref<1568xf32, #tpu.memory_space<vmem>>, vector<16xf32>,
      tpu.vector_store %arg12[%swap3A_208], %div3A_207 {strides = array<i32>} : memref<1568xf32, #tpu.memory_space<vmem>>, vector<16xf32>,
      %mul3A_210 = arith.constant 4 : i32
      %mul3A_211 = arith.muli %while3A_150, %mul3A_210 : i32
      %add3A_212 = arith.constant 3 : i32
      %add3A_213 = arith.addi %mul3A_211, %add3A_212 : i32
      %mul3A_214 = arith.constant 16 : i32
      %mul3A_215 = arith.muli %add3A_213, %mul3A_214 : i32
      %get3A_216 = arith.index_cast %mul3A_215 : i32 to index
      %get3A_217 = tpu.vector_load %arg11[%get3A_216] {strides = array<i32>} : memref<1568xf32, #tpu.memory_space<vmem>>, vector<16xf32>,
      %neg3A_218 = arith.constant 0.000000e+00 : f32
      %neg3A_219 = vector.broadcast %neg3A_218 : f32 to vector<16xf32>
      %neg3A_220 = arith.subf %neg3A_219, %get3A_217 : vector<16xf32>
      %exp3A_221 = math.exp %neg3A_220 : vector<16xf32>
      %add3A_222 = arith.constant 1.000000e+00 : f32
      %add3A_223 = vector.broadcast %add3A_222 : f32 to vector<16xf32>
      %add3A_224 = arith.addf %add3A_223, %exp3A_221 : vector<16xf32>
      %div3A_225 = arith.constant 1.000000e+00 : f32
      %div3A_226 = vector.broadcast %div3A_225 : f32 to vector<16xf32>
      %div3A_227 = arith.divf %div3A_226, %add3A_224 : vector<16xf32>
      %swap3A_228 = arith.index_cast %mul3A_215 : i32 to index
      %swap3A_229 = tpu.vector_load %arg12[%swap3A_228] {strides = array<i32>} : memref<1568xf32, #tpu.memory_space<vmem>>, vector<16xf32>,
      tpu.vector_store %arg12[%swap3A_228], %div3A_227 {strides = array<i32>} : memref<1568xf32, #tpu.memory_space<vmem>>, vector<16xf32>,
    }
    %while3A_117 = arith.constant 1 : i32
    scf.for %while3A_150 = %while3A_115 to %while3A_111 step %while3A_117  : i32 {
      %mul3A_151 = arith.constant 4 : i32
      %mul3A_152 = arith.muli %while3A_150, %mul3A_151 : i32
      %add3A_153 = arith.constant 0 : i32
      %add3A_154 = arith.addi %mul3A_152, %add3A_153 : i32
      %mul3A_155 = arith.constant 16 : i32
      %mul3A_156 = arith.muli %add3A_154, %mul3A_155 : i32
      %get3A = arith.index_cast %mul3A_156 : i32 to index
      %get3A_157 = tpu.vector_load %arg11[%get3A] {strides = array<i32>} : memref<1568xf32, #tpu.memory_space<vmem>>, vector<16xf32>,
      %neg3A_158 = arith.constant 0.000000e+00 : f32
      %neg3A_159 = vector.broadcast %neg3A_158 : f32 to vector<16xf32>
      %neg3A_160 = arith.subf %neg3A_159, %get3A_157 : vector<16xf32>
      %exp3A_161 = math.exp %neg3A_160 : vector<16xf32>
      %add3A_162 = arith.constant 1.000000e+00 : f32
      %add3A_163 = vector.broadcast %add3A_162 : f32 to vector<16xf32>
      %add3A_164 = arith.addf %add3A_163, %exp3A_161 : vector<16xf32>
      %div3A_165 = arith.constant 1.000000e+00 : f32
      %div3A_166 = vector.broadcast %div3A_165 : f32 to vector<16xf32>
      %div3A_167 = arith.divf %div3A_166, %add3A_164 : vector<16xf32>
      %swap3A_168 = arith.index_cast %mul3A_156 : i32 to index
      %swap3A_169 = tpu.vector_load %arg12[%swap3A_168] {strides = array<i32>} : memref<1568xf32, #tpu.memory_space<vmem>>, vector<16xf32>,
      tpu.vector_store %arg12[%swap3A_168], %div3A_167 {strides = array<i32>} : memref<1568xf32, #tpu.memory_space<vmem>>, vector<16xf32>,
      %mul3A_170 = arith.constant 4 : i32
      %mul3A_171 = arith.muli %while3A_150, %mul3A_170 : i32
      %add3A_172 = arith.constant 1 : i32
      %add3A_173 = arith.addi %mul3A_171, %add3A_172 : i32
      %mul3A_174 = arith.constant 16 : i32
      %mul3A_175 = arith.muli %add3A_173, %mul3A_174 : i32
      %get3A_176 = arith.index_cast %mul3A_175 : i32 to index
      %get3A_177 = tpu.vector_load %arg11[%get3A_176] {strides = array<i32>} : memref<1568xf32, #tpu.memory_space<vmem>>, vector<16xf32>,
      %neg3A_178 = arith.constant 0.000000e+00 : f32
      %neg3A_179 = vector.broadcast %neg3A_178 : f32 to vector<16xf32>
      %neg3A_180 = arith.subf %neg3A_179, %get3A_177 : vector<16xf32>
      %exp3A_181 = math.exp %neg3A_180 : vector<16xf32>
      %add3A_182 = arith.constant 1.000000e+00 : f32
      %add3A_183 = vector.broadcast %add3A_182 : f32 to vector<16xf32>
      %add3A_184 = arith.addf %add3A_183, %exp3A_181 : vector<16xf32>
      %div3A_185 = arith.constant 1.000000e+00 : f32
      %div3A_186 = vector.broadcast %div3A_185 : f32 to vector<16xf32>
      %div3A_187 = arith.divf %div3A_186, %add3A_184 : vector<16xf32>
      %swap3A_188 = arith.index_cast %mul3A_175 : i32 to index
      %swap3A_189 = tpu.vector_load %arg12[%swap3A_188] {strides = array<i32>} : memref<1568xf32, #tpu.memory_space<vmem>>, vector<16xf32>,
      tpu.vector_store %arg12[%swap3A_188], %div3A_187 {strides = array<i32>} : memref<1568xf32, #tpu.memory_space<vmem>>, vector<16xf32>,
      %mul3A_190 = arith.constant 4 : i32
      %mul3A_191 = arith.muli %while3A_150, %mul3A_190 : i32
      %add3A_192 = arith.constant 2 : i32
      %add3A_193 = arith.addi %mul3A_191, %add3A_192 : i32
      %mul3A_194 = arith.constant 16 : i32
      %mul3A_195 = arith.muli %add3A_193, %mul3A_194 : i32
      %get3A_196 = arith.index_cast %mul3A_195 : i32 to index
      %get3A_197 = tpu.vector_load %arg11[%get3A_196] {strides = array<i32>} : memref<1568xf32, #tpu.memory_space<vmem>>, vector<16xf32>,
      %neg3A_198 = arith.constant 0.000000e+00 : f32
      %neg3A_199 = vector.broadcast %neg3A_198 : f32 to vector<16xf32>
      %neg3A_200 = arith.subf %neg3A_199, %get3A_197 : vector<16xf32>
      %exp3A_201 = math.exp %neg3A_200 : vector<16xf32>
      %add3A_202 = arith.constant 1.000000e+00 : f32
      %add3A_203 = vector.broadcast %add3A_202 : f32 to vector<16xf32>
      %add3A_204 = arith.addf %add3A_203, %exp3A_201 : vector<16xf32>
      %div3A_205 = arith.constant 1.000000e+00 : f32
      %div3A_206 = vector.broadcast %div3A_205 : f32 to vector<16xf32>
      %div3A_207 = arith.divf %div3A_206, %add3A_204 : vector<16xf32>
      %swap3A_208 = arith.index_cast %mul3A_195 : i32 to index
      %swap3A_209 = tpu.vector_load %arg12[%swap3A_208] {strides = array<i32>} : memref<1568xf32, #tpu.memory_space<vmem>>, vector<16xf32>,
      tpu.vector_store %arg12[%swap3A_208], %div3A_207 {strides = array<i32>} : memref<1568xf32, #tpu.memory_space<vmem>>, vector<16xf32>,
      %mul3A_210 = arith.constant 4 : i32
      %mul3A_211 = arith.muli %while3A_150, %mul3A_210 : i32
      %add3A_212 = arith.constant 3 : i32
      %add3A_213 = arith.addi %mul3A_211, %add3A_212 : i32
      %mul3A_214 = arith.constant 16 : i32
      %mul3A_215 = arith.muli %add3A_213, %mul3A_214 : i32
      %get3A_216 = arith.index_cast %mul3A_215 : i32 to index
      %get3A_217 = tpu.vector_load %arg11[%get3A_216] {strides = array<i32>} : memref<1568xf32, #tpu.memory_space<vmem>>, vector<16xf32>,
      %neg3A_218 = arith.constant 0.000000e+00 : f32
      %neg3A_219 = vector.broadcast %neg3A_218 : f32 to vector<16xf32>
      %neg3A_220 = arith.subf %neg3A_219, %get3A_217 : vector<16xf32>
      %exp3A_221 = math.exp %neg3A_220 : vector<16xf32>
      %add3A_222 = arith.constant 1.000000e+00 : f32
      %add3A_223 = vector.broadcast %add3A_222 : f32 to vector<16xf32>
      %add3A_224 = arith.addf %add3A_223, %exp3A_221 : vector<16xf32>
      %div3A_225 = arith.constant 1.000000e+00 : f32
      %div3A_226 = vector.broadcast %div3A_225 : f32 to vector<16xf32>
      %div3A_227 = arith.divf %div3A_226, %add3A_224 : vector<16xf32>
      %swap3A_228 = arith.index_cast %mul3A_215 : i32 to index
      %swap3A_229 = tpu.vector_load %arg12[%swap3A_228] {strides = array<i32>} : memref<1568xf32, #tpu.memory_space<vmem>>, vector<16xf32>,
      tpu.vector_store %arg12[%swap3A_228], %div3A_227 {strides = array<i32>} : memref<1568xf32, #tpu.memory_space<vmem>>, vector<16xf32>,
    }
    %mul3A_118 = arith.constant 4 : i32
    %mul3A_119 = arith.muli %select_n3A, %mul3A_118 : i32
    %while3A_120 = arith.constant 0 : i32
    %while3A_121 = arith.subi %select_n3A_5, %mul3A_119 : i32
    %while3A_122 = arith.addi %mul3A_119, %while3A_121 : i32
    %while3A_123 = arith.constant 1 : i32
    %while3A_124 = arith.divsi %while3A_121, %while3A_123 : i32
    %while3A_125 = arith.muli %while3A_124, %while3A_123 : i32
    %while3A_126 = arith.addi %mul3A_119, %while3A_125 : i32
    %while3A_127 = arith.constant 1 : i32
    scf.for %while3A_150 = %mul3A_119 to %while3A_126 step %while3A_127  : i32 {
      %mul3A_151 = arith.constant 16 : i32
      %mul3A_152 = arith.muli %while3A_150, %mul3A_151 : i32
      %get3A = arith.index_cast %mul3A_152 : i32 to index
      %get3A_153 = tpu.vector_load %arg11[%get3A] {strides = array<i32>} : memref<1568xf32, #tpu.memory_space<vmem>>, vector<16xf32>,
      %neg3A_154 = arith.constant 0.000000e+00 : f32
      %neg3A_155 = vector.broadcast %neg3A_154 : f32 to vector<16xf32>
      %neg3A_156 = arith.subf %neg3A_155, %get3A_153 : vector<16xf32>
      %exp3A_157 = math.exp %neg3A_156 : vector<16xf32>
      %add3A_158 = arith.constant 1.000000e+00 : f32
      %add3A_159 = vector.broadcast %add3A_158 : f32 to vector<16xf32>
      %add3A_160 = arith.addf %add3A_159, %exp3A_157 : vector<16xf32>
      %div3A_161 = arith.constant 1.000000e+00 : f32
      %div3A_162 = vector.broadcast %div3A_161 : f32 to vector<16xf32>
      %div3A_163 = arith.divf %div3A_162, %add3A_160 : vector<16xf32>
      %swap3A_164 = arith.index_cast %mul3A_152 : i32 to index
      %swap3A_165 = tpu.vector_load %arg12[%swap3A_164] {strides = array<i32>} : memref<1568xf32, #tpu.memory_space<vmem>>, vector<16xf32>,
      tpu.vector_store %arg12[%swap3A_164], %div3A_163 {strides = array<i32>} : memref<1568xf32, #tpu.memory_space<vmem>>, vector<16xf32>,
    }
    %while3A_128 = arith.constant 1 : i32
    scf.for %while3A_150 = %while3A_126 to %while3A_122 step %while3A_128  : i32 {
      %mul3A_151 = arith.constant 16 : i32
      %mul3A_152 = arith.muli %while3A_150, %mul3A_151 : i32
      %get3A = arith.index_cast %mul3A_152 : i32 to index
      %get3A_153 = tpu.vector_load %arg11[%get3A] {strides = array<i32>} : memref<1568xf32, #tpu.memory_space<vmem>>, vector<16xf32>,
      %neg3A_154 = arith.constant 0.000000e+00 : f32
      %neg3A_155 = vector.broadcast %neg3A_154 : f32 to vector<16xf32>
      %neg3A_156 = arith.subf %neg3A_155, %get3A_153 : vector<16xf32>
      %exp3A_157 = math.exp %neg3A_156 : vector<16xf32>
      %add3A_158 = arith.constant 1.000000e+00 : f32
      %add3A_159 = vector.broadcast %add3A_158 : f32 to vector<16xf32>
      %add3A_160 = arith.addf %add3A_159, %exp3A_157 : vector<16xf32>
      %div3A_161 = arith.constant 1.000000e+00 : f32
      %div3A_162 = vector.broadcast %div3A_161 : f32 to vector<16xf32>
      %div3A_163 = arith.divf %div3A_162, %add3A_160 : vector<16xf32>
      %swap3A_164 = arith.index_cast %mul3A_152 : i32 to index
      %swap3A_165 = tpu.vector_load %arg12[%swap3A_164] {strides = array<i32>} : memref<1568xf32, #tpu.memory_space<vmem>>, vector<16xf32>,
      tpu.vector_store %arg12[%swap3A_164], %div3A_163 {strides = array<i32>} : memref<1568xf32, #tpu.memory_space<vmem>>, vector<16xf32>,
    }
    %not3A = arith.constant true
    %not3A_129 = arith.xori %eq3A_1, %not3A : i1
    %convert_element_type3A_130 = arith.extui %not3A_129 : i1 to i32
    %cond3A_131 = arith.constant 0 : i32
    %cond3A_132 = arith.cmpi ne, %convert_element_type3A_130, %cond3A_131 : i32
    scf.if %cond3A_132 {
      %mul3A_150 = arith.constant 1568 : i32
      %mul3A_151 = arith.muli %add3A, %mul3A_150 : i32
      "tpu.region"() ({
        %run_scoped3A = tpu.sem_alloc : memref<!tpu.dma_semaphore, #tpu.memory_space<semaphore_mem>>
        %dma_start3A_152 = arith.constant 0 : i32
        %dma_start3A_153 = tpu.memref_slice %arg12[%dma_start3A_152] : memref<1568xf32, #tpu.memory_space<vmem>> -> memref<1568xf32, #tpu.memory_space<vmem>>
        %dma_start3A_154 = tpu.memref_slice %arg4[%mul3A_151] : memref<50000xf32, #tpu.memory_space<hbm>> -> memref<1568xf32, #tpu.memory_space<hbm>>
        %dma_start3A_155 = tpu.memref_slice %arg4[%mul3A_151] : memref<50000xf32, #tpu.memory_space<hbm>> -> memref<1568xf32, #tpu.memory_space<hbm>>
        %dma_start3A_156 = arith.constant 0 : i32
        %dma_start3A_157 = tpu.memref_slice %arg12[%dma_start3A_156] : memref<1568xf32, #tpu.memory_space<vmem>> -> memref<1568xf32, #tpu.memory_space<vmem>>
        tpu.enqueue_dma source(%dma_start3A_157 : memref<1568xf32, #tpu.memory_space<vmem>>) target(%dma_start3A_155 : memref<1568xf32, #tpu.memory_space<hbm>>) target_semaphore(%run_scoped3A : memref<!tpu.dma_semaphore, #tpu.memory_space<semaphore_mem>>)
        %dma_wait3A_158 = arith.constant 0 : i32
        %dma_wait3A_159 = tpu.memref_slice %arg12[%dma_wait3A_158] : memref<1568xf32, #tpu.memory_space<vmem>> -> memref<1568xf32, #tpu.memory_space<vmem>>
        %dma_wait3A_160 = tpu.memref_slice %arg4[%mul3A_151] : memref<50000xf32, #tpu.memory_space<hbm>> -> memref<1568xf32, #tpu.memory_space<hbm>>
        %dma_wait3A_161 = tpu.memref_slice %arg4[%mul3A_151] : memref<50000xf32, #tpu.memory_space<hbm>> -> memref<1568xf32, #tpu.memory_space<hbm>>
        %dma_wait3A_162 = arith.constant 0 : i32
        %dma_wait3A_163 = tpu.memref_slice %arg12[%dma_wait3A_162] : memref<1568xf32, #tpu.memory_space<vmem>> -> memref<1568xf32, #tpu.memory_space<vmem>>
        tpu.wait_dma2 semaphore(%run_scoped3A : memref<!tpu.dma_semaphore, #tpu.memory_space<semaphore_mem>>) src(%dma_wait3A_163 : memref<1568xf32, #tpu.memory_space<vmem>>) dst(%dma_wait3A_161 : memref<1568xf32, #tpu.memory_space<hbm>>)
        tpu.yield
      }) : () -> ()
    } else {
    }
    %convert_element_type3A_133 = arith.extui %eq3A_1 : i1 to i32
    %cond3A_134 = arith.constant 0 : i32
    %cond3A_135 = arith.cmpi ne, %convert_element_type3A_133, %cond3A_134 : i32
    scf.if %cond3A_135 {
      %mul3A_150 = arith.constant 1568 : i32
      %mul3A_151 = arith.muli %add3A, %mul3A_150 : i32
      "tpu.region"() ({
        %run_scoped3A = tpu.sem_alloc : memref<!tpu.dma_semaphore, #tpu.memory_space<semaphore_mem>>
        %dma_start3A_152 = arith.constant 0 : i32
        %dma_start3A_153 = tpu.memref_slice %arg12[%dma_start3A_152] : memref<1568xf32, #tpu.memory_space<vmem>> -> memref<1392xf32, #tpu.memory_space<vmem>>
        %dma_start3A_154 = tpu.memref_slice %arg4[%mul3A_151] : memref<50000xf32, #tpu.memory_space<hbm>> -> memref<1392xf32, #tpu.memory_space<hbm>>
        %dma_start3A_155 = tpu.memref_slice %arg4[%mul3A_151] : memref<50000xf32, #tpu.memory_space<hbm>> -> memref<1392xf32, #tpu.memory_space<hbm>>
        %dma_start3A_156 = arith.constant 0 : i32
        %dma_start3A_157 = tpu.memref_slice %arg12[%dma_start3A_156] : memref<1568xf32, #tpu.memory_space<vmem>> -> memref<1392xf32, #tpu.memory_space<vmem>>
        tpu.enqueue_dma source(%dma_start3A_157 : memref<1392xf32, #tpu.memory_space<vmem>>) target(%dma_start3A_155 : memref<1392xf32, #tpu.memory_space<hbm>>) target_semaphore(%run_scoped3A : memref<!tpu.dma_semaphore, #tpu.memory_space<semaphore_mem>>)
        %dma_wait3A_158 = arith.constant 0 : i32
        %dma_wait3A_159 = tpu.memref_slice %arg12[%dma_wait3A_158] : memref<1568xf32, #tpu.memory_space<vmem>> -> memref<1392xf32, #tpu.memory_space<vmem>>
        %dma_wait3A_160 = tpu.memref_slice %arg4[%mul3A_151] : memref<50000xf32, #tpu.memory_space<hbm>> -> memref<1392xf32, #tpu.memory_space<hbm>>
        %dma_wait3A_161 = tpu.memref_slice %arg4[%mul3A_151] : memref<50000xf32, #tpu.memory_space<hbm>> -> memref<1392xf32, #tpu.memory_space<hbm>>
        %dma_wait3A_162 = arith.constant 0 : i32
        %dma_wait3A_163 = tpu.memref_slice %arg12[%dma_wait3A_162] : memref<1568xf32, #tpu.memory_space<vmem>> -> memref<1392xf32, #tpu.memory_space<vmem>>
        tpu.wait_dma2 semaphore(%run_scoped3A : memref<!tpu.dma_semaphore, #tpu.memory_space<semaphore_mem>>) src(%dma_wait3A_163 : memref<1392xf32, #tpu.memory_space<vmem>>) dst(%dma_wait3A_161 : memref<1392xf32, #tpu.memory_space<hbm>>)
        tpu.yield
      }) : () -> ()
    } else {
    }
    %neg3A = arith.constant 0.000000e+00 : f32
    %neg3A_136 = vector.broadcast %neg3A : f32 to vector<16xf32>
    %neg3A_137 = arith.subf %neg3A_136, %while3A_107#0 : vector<16xf32>
    %exp3A = math.exp %neg3A_137 : vector<16xf32>
    %add3A_138 = arith.constant 1.000000e+00 : f32
    %add3A_139 = vector.broadcast %add3A_138 : f32 to vector<16xf32>
    %add3A_140 = arith.addf %add3A_139, %exp3A : vector<16xf32>
    %div3A = arith.constant 1.000000e+00 : f32
    %div3A_141 = vector.broadcast %div3A : f32 to vector<16xf32>
    %div3A_142 = arith.divf %div3A_141, %add3A_140 : vector<16xf32>
    %swap3A = arith.constant 0 : index
    %swap3A_143 = tpu.vector_load %arg13[%swap3A] {strides = array<i32>} : memref<16xf32, #tpu.memory_space<vmem>>, vector<16xf32>,
    tpu.vector_store %arg13[%swap3A], %div3A_142 {strides = array<i32>} : memref<16xf32, #tpu.memory_space<vmem>>, vector<16xf32>,
    %mul3A_144 = arith.constant 16 : i32
    %mul3A_145 = arith.muli %add3A, %mul3A_144 : i32
    "tpu.region"() ({
      %run_scoped3A = tpu.sem_alloc : memref<!tpu.dma_semaphore, #tpu.memory_space<semaphore_mem>>
      %dma_start3A_150 = tpu.memref_slice %arg5[%mul3A_145] : memref<512xf32, #tpu.memory_space<hbm>> -> memref<16xf32, #tpu.memory_space<hbm>>
      %dma_start3A_151 = tpu.memref_slice %arg5[%mul3A_145] : memref<512xf32, #tpu.memory_space<hbm>> -> memref<16xf32, #tpu.memory_space<hbm>>
      tpu.enqueue_dma source(%arg13 : memref<16xf32, #tpu.memory_space<vmem>>) target(%dma_start3A_151 : memref<16xf32, #tpu.memory_space<hbm>>) target_semaphore(%run_scoped3A : memref<!tpu.dma_semaphore, #tpu.memory_space<semaphore_mem>>)
      %dma_wait3A_152 = tpu.memref_slice %arg5[%mul3A_145] : memref<512xf32, #tpu.memory_space<hbm>> -> memref<16xf32, #tpu.memory_space<hbm>>
      %dma_wait3A_153 = tpu.memref_slice %arg5[%mul3A_145] : memref<512xf32, #tpu.memory_space<hbm>> -> memref<16xf32, #tpu.memory_space<hbm>>
      tpu.wait_dma2 semaphore(%run_scoped3A : memref<!tpu.dma_semaphore, #tpu.memory_space<semaphore_mem>>) src(%arg13 : memref<16xf32, #tpu.memory_space<vmem>>) dst(%dma_wait3A_153 : memref<16xf32, #tpu.memory_space<hbm>>)
      tpu.yield
    }) : () -> ()
    %swap3A_146 = arith.constant 0 : index
    %swap3A_147 = tpu.vector_load %arg13[%swap3A_146] {strides = array<i32>} : memref<16xf32, #tpu.memory_space<vmem>>, vector<16xf32>,
    tpu.vector_store %arg13[%swap3A_146], %while3A_107#1 {strides = array<i32>} : memref<16xf32, #tpu.memory_space<vmem>>, vector<16xf32>,
    %mul3A_148 = arith.constant 16 : i32
    %mul3A_149 = arith.muli %add3A, %mul3A_148 : i32
    "tpu.region"() ({
      %run_scoped3A = tpu.sem_alloc : memref<!tpu.dma_semaphore, #tpu.memory_space<semaphore_mem>>
      %dma_start3A_150 = tpu.memref_slice %arg6[%mul3A_149] : memref<512xf32, #tpu.memory_space<hbm>> -> memref<16xf32, #tpu.memory_space<hbm>>
      %dma_start3A_151 = tpu.memref_slice %arg6[%mul3A_149] : memref<512xf32, #tpu.memory_space<hbm>> -> memref<16xf32, #tpu.memory_space<hbm>>
      tpu.enqueue_dma source(%arg13 : memref<16xf32, #tpu.memory_space<vmem>>) target(%dma_start3A_151 : memref<16xf32, #tpu.memory_space<hbm>>) target_semaphore(%run_scoped3A : memref<!tpu.dma_semaphore, #tpu.memory_space<semaphore_mem>>)
      %dma_wait3A_152 = tpu.memref_slice %arg6[%mul3A_149] : memref<512xf32, #tpu.memory_space<hbm>> -> memref<16xf32, #tpu.memory_space<hbm>>
      %dma_wait3A_153 = tpu.memref_slice %arg6[%mul3A_149] : memref<512xf32, #tpu.memory_space<hbm>> -> memref<16xf32, #tpu.memory_space<hbm>>
      tpu.wait_dma2 semaphore(%run_scoped3A : memref<!tpu.dma_semaphore, #tpu.memory_space<semaphore_mem>>) src(%arg13 : memref<16xf32, #tpu.memory_space<vmem>>) dst(%dma_wait3A_153 : memref<16xf32, #tpu.memory_space<hbm>>)
      tpu.yield
    }) : () -> ()
    return
  }
}

module attributes {stable_mosaic.version = 14 : i64} {
  func.func @_sig_tc_body(%arg0: memref<782x128xf32, #tpu.memory_space<vmem>>, %arg1: memref<782x128xf32, #tpu.memory_space<vmem>>) attributes {dimension_semantics = [], scalar_prefetch = 0 : i64, scratch_operands = 0 : i64, tpu.core_type = #tpu.core_type<tc>} {
    %get3A = arith.constant 0 : index
    %get3A_0 = arith.constant 0 : index
    %get3A_1 = vector.load %arg0[%get3A, %get3A_0] : memref<782x128xf32, #tpu.memory_space<vmem>>, vector<782x128xf32>
    %neg3A = arith.constant 0.000000e+00 : f32
    %neg3A_2 = vector.broadcast %neg3A : f32 to vector<782x128xf32>
    %neg3A_3 = arith.subf %neg3A_2, %get3A_1 : vector<782x128xf32>
    %exp3A = math.exp %neg3A_3 : vector<782x128xf32>
    %add3A = arith.constant 1.000000e+00 : f32
    %add3A_4 = vector.broadcast %add3A : f32 to vector<782x128xf32>
    %add3A_5 = arith.addf %add3A_4, %exp3A : vector<782x128xf32>
    %div3A = arith.constant 1.000000e+00 : f32
    %div3A_6 = vector.broadcast %div3A : f32 to vector<782x128xf32>
    %div3A_7 = arith.divf %div3A_6, %add3A_5 : vector<782x128xf32>
    %swap3A = arith.constant 0 : index
    %swap3A_8 = arith.constant 0 : index
    %swap3A_9 = vector.load %arg1[%swap3A, %swap3A_8] : memref<782x128xf32, #tpu.memory_space<vmem>>, vector<782x128xf32>
    tpu.vector_store %arg1[%swap3A, %swap3A_8], %div3A_7 {strides = array<i32>} : memref<782x128xf32, #tpu.memory_space<vmem>>, vector<782x128xf32>,
    return
  }
}

</mosaic_0001>

<sc_bundles>
// kernel: kernel.4.cloned.1.call-start
scs
__scs_entry_jumppad:
0x0: {  	(pc) =	sbr.rel $0x88, $3  }
0x1: {  	(tag) =	ssettag $0x0;
	lr =	simm.s32 $0x1  }
0x2: {  	[smem:$0x3F9E] =	sst lr;
	_ =	strace $0xD0000000  }
0x3: {  	_ = 	snop  }
0x4: {  	_ = 	snop  }
0x5: {  	_ = 	snop  }
0x6: {  	_ = 	snop  }
0x7: {  	_ = 	snop  }
__scs_overlays_trampoline_lowered:
0x8: {  	[smem:$0x3FAD] =	sst s0  }
0x9: {  	[smem:$0x3FAE] =	sst s1  }
0xa: {  	[smem:$0x3FAF] =	sst s2  }
0xb: {  	[smem:$0x3FB0] =	sst s3  }
0xc: {  	[smem:$0x3FB1] =	sst s4  }
0xd: {  	[smem:$0x3FB2] =	sst s5  }
0xe: {  	[smem:$0x3FB3] =	sst s6  }
0xf: {  	[smem:$0x3FB4] =	sst s7  }
0x10: {  	[smem:$0x3FB5] =	sst s8  }
0x11: {  	[smem:$0x3FB6] =	sst s9;
	s0 =	simm.s32 @!p0 $0x0  }
0x12: {  	s1 =	sld [smem:$0x3F9C];
	s0 =	simm.s32 @p0 $0x1  }
0x13: {  	[smem:$0x3FB7] =	sst s0;
	s0 =	simm.s32 @!p1 $0x0  }
0x14: {  	s2 =	sld [smem:$0x3F9B];
	s0 =	simm.s32 @p1 $0x1  }
0x15: {  	[smem:$0x3FB8] =	sst s0;
	s0 =	simm.s32 @!p2 $0x0  }
0x16: {  	s3 =	sld [smem:$0x3FDB];
	s0 =	simm.s32 @p2 $0x1  }
0x17: {  	s4 =	simm.s32 $0x1BF5;
	[smem:$0x3FBA] =	sst s0  }
0x18: {  	s0 =	sld [smem:$0x3F9D];
	_ =	swait.ge [sflag:s4], $0x0  }
0x19: {  	s7 =	sld [smem:$0x3F9E]  }
0x1a: {  	s8 =	sadd.s32 $0xFFFFE003, lr  }
0x1b: {  	s9 =	sadd.s32 $0xFFFFFEF7, lr;
	s5 =	simm.s32 $0xFFFFFFFF;
	p2 =	slt.u32 s8, $0xFFFFF086  }
0x1c: {  	p1 =	slt.u32 s9, $0xF7A;
	s5 =	simm.s32 @!p2 $0x0  }
0x1d: {  	s5 =	simm.s32 @p1 $0x1;
	p0 =	seq.s32 s7, s2  }
0x1e: {  	s7 =	smul.u32 @!p0 $0xF7A, s2;
	p2 =	seq.s32 @!p0 s5, $0x0  }
0x1f: {  	s9 =	smul.u32 $0xF7A, s1;
	s8 =	simm.s32 @!p0 $0x1BF5;
	p2 =	por !p2, p0  }
0x20: {  	[sflag:s8] =	ssyncset.s32 @!p0 $0xFFFFF086;
	s6 =	sadd.s32 @!p0 s3, s7;
	s7 =	simm.s32 @!p0 $0x108  }
0x21: {  	s3 =	sadd.s32 s3, s9;
	s6 =	sadd.s32 @!p0 $0x88, s6;
	s7 =	simm.s32 @p2 $0x1082  }
0x22: {  	[simem:s7], [sflag:s8] =	dma.local @!p0 [hbm:s6], $0xF7A  }
0x23: {  	s9 =	sor.u32 $0xD0000000, s2;
	s6 =	simm.s32 $0x108;
	_ =	swait.ge @!p0 [sflag:s8], $0x0  }
0x24: {  	s3 =	sadd.s32 $0x88, s3;
	s6 =	simm.s32 @!p1 $0x1082;
	[sflag:s4] =	ssyncset.s32 $0xFFFFF086  }
0x25: {  	[simem:s6], [sflag:s4] =	dma.local [hbm:s3], $0xF7A  }
0x26: {  	[smem:$0x3F9E] =	sst s1;
	(tag) =	ssettag s2;
	_ =	strace s9  }
0x27: {  	s1 =	sld [smem:$0x3FAE]  }
0x28: {  	s2 =	sld [smem:$0x3FAF]  }
0x29: {  	s4 =	sld [smem:$0x3FB1]  }
0x2a: {  	p0 =	seq.s32 s5, $0x0;
	s5 =	sld [smem:$0x3FB2]  }
0x2b: {  	s6 =	sld [smem:$0x3FB3]  }
0x2c: {  	s7 =	sld [smem:$0x3FB4]  }
0x2d: {  	s3 =	simm.s32 $0x108;
	s8 =	sld [smem:$0x3FB5]  }
0x2e: {  	s3 =	simm.s32 @!p0 $0x1082;
	s9 =	sld [smem:$0x3FB6]  }
0x2f: {  	lr =	sadd.s32 s0, s3;
	s0 =	sld [smem:$0x3FAD]  }
0x30: {  	s3 =	sld [smem:$0x3FB0]  }
0x31: {  	[smem:$0x3FB9] =	sst s10  }
0x32: {  	s10 =	sld [smem:$0x3FB7];
	_ =	sdelay $0x3  }
0x33: {  	p0 =	seq.s32 s10, $0x1;
	s10 =	sld [smem:$0x3FB9];
	_ =	sdelay $0x3  }
0x34: {  	[smem:$0x3FB9] =	sst s10  }
0x35: {  	s10 =	sld [smem:$0x3FB8];
	_ =	sdelay $0x3  }
0x36: {  	p1 =	seq.s32 s10, $0x1;
	s10 =	sld [smem:$0x3FB9];
	_ =	sdelay $0x3  }
0x37: {  	[smem:$0x3FB9] =	sst s10  }
0x38: {  	s10 =	sld [smem:$0x3FBA]  }
0x39: {  	_ = 	snop;
	(pc) =	sbr.ind lr, $3  }
0x3a: {  	_ = 	snop  }
0x3b: {  	_ = 	snop  }
0x3c: {  	p2 =	seq.s32 s10, $0x1;
	s10 =	sld [smem:$0x3FB9]  }
0x3d: {  	_ =	shalt  }
0x3e: {  	_ =	shalt  }
0x3f: {  	_ =	shalt  }
0x40: {  	_ =	shalt  }
0x41: {  	_ =	shalt  }
0x42: {  	_ =	shalt  }
0x43: {  	_ =	shalt  }
0x44: {  	_ =	shalt  }
0x45: {  	_ =	shalt  }
0x46: {  	_ =	shalt  }
0x47: {  	_ =	shalt  }
0x48: {  	_ =	shalt  }
0x49: {  	_ =	shalt  }
0x4a: {  	_ =	shalt  }
0x4b: {  	_ =	shalt  }
0x4c: {  	_ =	shalt  }
0x4d: {  	_ =	shalt  }
0x4e: {  	_ =	shalt  }
0x4f: {  	_ =	shalt  }
0x50: {  	_ =	shalt  }
0x51: {  	_ =	shalt  }
0x52: {  	_ =	shalt  }
0x53: {  	_ =	shalt  }
0x54: {  	_ =	shalt  }
0x55: {  	_ =	shalt  }
0x56: {  	_ =	shalt  }
0x57: {  	_ =	shalt  }
0x58: {  	_ =	shalt  }
0x59: {  	_ =	shalt  }
0x5a: {  	_ =	shalt  }
0x5b: {  	_ =	shalt  }
0x5c: {  	_ =	shalt  }
0x5d: {  	_ =	shalt  }
0x5e: {  	_ =	shalt  }
0x5f: {  	_ =	shalt  }
0x60: {  	_ =	shalt  }
0x61: {  	_ =	shalt  }
0x62: {  	_ =	shalt  }
0x63: {  	_ =	shalt  }
0x64: {  	_ =	shalt  }
0x65: {  	_ =	shalt  }
0x66: {  	_ =	shalt  }
0x67: {  	_ =	shalt  }
0x68: {  	_ =	shalt  }
0x69: {  	_ =	shalt  }
0x6a: {  	_ =	shalt  }
0x6b: {  	_ =	shalt  }
0x6c: {  	_ =	shalt  }
0x6d: {  	_ =	shalt  }
0x6e: {  	_ =	shalt  }
0x6f: {  	_ =	shalt  }
0x70: {  	_ =	shalt  }
0x71: {  	_ =	shalt  }
0x72: {  	_ =	shalt  }
0x73: {  	_ =	shalt  }
0x74: {  	_ =	shalt  }
0x75: {  	_ =	shalt  }
0x76: {  	_ =	shalt  }
0x77: {  	_ =	shalt  }
0x78: {  	_ =	shalt  }
0x79: {  	_ =	shalt  }
0x7a: {  	_ =	shalt  }
0x7b: {  	_ =	shalt  }
0x7c: {  	_ =	shalt  }
0x7d: {  	_ =	shalt  }
0x7e: {  	_ =	shalt  }
0x7f: {  	_ =	shalt  }
0x80: {  	_ =	shalt  }
0x81: {  	_ =	shalt  }
0x82: {  	_ =	shalt  }
0x83: {  	_ =	shalt  }
0x84: {  	_ =	shalt  }
0x85: {  	_ =	shalt  }
0x86: {  	_ =	shalt  }
0x87: {  	_ =	shalt  }
.Lfunc_end0:
.L_simem_size_0:
called_computation_lowered:
.L_overlay_start_0:
0x88: {  	s2 =	sld [smem:$0x3FD9]  }
0x89: {  	s3 =	sld [smem:$0x3FFE];
	_ =	sdelay $0x1  }
0x8a: {  	s1 =	srdreg.scid  }
0x8b: {  	s0 =	sand.u32 $0x1, s1  }
0x8c: {  	s14 =	sshll.u32 s0, $0xA;
	s2 =	sadd.s32 s3, s2  }
0x8d: {  	s2 =	sadd.s32 s2, s14  }
0x8e: {  	[smem:$0x3FC5] =	sst s2  }
0x8f: {  	_ = 	snop  }
0x90: {  	s2 =	sld [smem:$0x3FD0];
	_ =	sdelay $0x2  }
0x91: {  	s15 =	simm.s32 $0xA;
	s4 =	simm.s32 $0x10  }
0x92: {  	[smem:s4], [sflag:s15] =	dma.local [hbm:s2], $0x1  }
0x93: {  	_ =	swait.eq [sflag:s15], $0x1  }
0x94: {  	[sflag:s15] =	ssyncset.done $0x0  }
0x95: {  	[sflag:s15] =	ssyncadd.s32 $0xFFFFFFFF  }
0x96: {  	s16 =	sld [smem:$0x11];
	(tm) =	ssettm $0x1  }
0x97: {  	s17 =	sld [smem:$0x3FFB];
	_ =	sdelay $0x3  }
0x98: {  	_ =	strace s17  }
0x99: {  	s3 =	sld [smem:$0x3FFC];
	_ =	sdelay $0x3  }
0x9a: {  	_ =	strace s3  }
0x9b: {  	s3 =	sld [smem:$0x3FFD];
	_ =	sdelay $0x3  }
0x9c: {  	_ =	strace s3  }
0x9d: {  	_ =	strace $0x8FFFFFFF  }
0x9e: {  	s18 =	sld [smem:$0x3FDB];
	_ =	sdelay $0x1  }
0x9f: {  	s19 =	simm.s32 $_scs_section_size  }
0xa0: {  	s5 =	simm.s32 $_size__tile_overlayer_lowered;
	s6 =	simm.s32 $_tile_overlayer_lowered  }
0xa1: {  	s22 =	simm.s32 $0x1BFF;
	s21 =	sshll.u32 s6, $0x1;
	s3 =	sadd.s32 s19, s18  }
0xa2: {  	s7 =	simm.s32 $0x0;
	s20 =	sshll.u32 s5, $0x1;
	s5 =	sadd.s32 s21, s3  }
0xa3: {  	[timem:s7], [sflag:s22] =	dma.local [hbm:s5], s20  }
0xa4: {  	_ =	swait.ge [sflag:s22], s20  }
0xa5: {  	s4 =	ssub.s32 $0x0, s20;
	[sflag:s22] =	ssyncset.done $0x0  }
0xa6: {  	[sflag:s22] =	ssyncadd.s32 s4;
	_ =	sdelay $0x1  }
0xa7: {  	s23 =	simm.s32 $0x1B8B  }
0xa8: {  	_ =	swait.ge [sflag:s23], $0x1  }
0xa9: {  	[sflag:s23] =	ssyncset.done $0x0  }
0xaa: {  	s25 =	simm.s32 $0x1B8E;
	s24 =	sld [smem:$0x3FFE];
	[sflag:s23] =	ssyncadd.s32 $0xFFFFFFFF  }
0xab: {  	s26 =	simm.s32 $execute0_lowered;
	[smem:$0x3FD2] =	sst s25  }
0xac: {  	s5 =	sshll.u32 s26, $0x1;
	_ =	strace $0x80000046;
	[dreg:$0x1] =	wrdreg $0xFFFFFFFF  }
0xad: {  	s28 =	simm.s32 $_size_execute0_lowered;
	s3 =	sadd.s32 s3, s5;
	[dreg:$0x0] =	wrdreg $0x0  }
0xae: {  	s5 =	sshll.u32 s28, $0x1;
	[dreg:$0x2] =	wrdreg s3  }
0xaf: {  	[dreg:$0x3] =	wrdreg s5  }
0xb0: {  	[dreg:$0x4] =	wrdreg $0xC0  }
0xb1: {  	_ =	task [dreg:s7], $0x5FFFF  }
0xb2: {  	[dreg:$0x1] =	wrdreg $0xFFFFFFFF  }
0xb3: {  	[dreg:$0x0] =	wrdreg $0x60  }
0xb4: {  	[dreg:$0x2] =	wrdreg s24  }
0xb5: {  	[dreg:$0x3] =	wrdreg s16  }
0xb6: {  	[dreg:$0x4] =	wrdreg $0x0  }
0xb7: {  	[dreg:$0x5] =	wrdreg $0x9  }
0xb8: {  	_ =	task.clear_ibuf [dreg:s7], $0x6FFFF;
	_ =	strace $0x90000046  }
0xb9: {  	s29 =	simm.s32 $0x9;
	_ =	strace $0x80000048  }
0xba: {  	_ =	swait.ge [sflag:s29], $0x1  }
0xbb: {  	[sflag:s29] =	ssyncadd.s32 $0xFFFFFFFF  }
0xbc: {  	_ =	strace $0x90000048  }
0xbd: {  	_ =	sfence  }
0xbe: {  	s30 =	sld [smem:$0x0];
	_ =	sdelay $0x2  }
0xbf: {  	s31 =	sshll.u32 s1, $0xD;
	s1 =	sshrl.u32 s1, $0x2  }
0xc0: {  	s3 =	sand.u32 $0x4000, s31;
	s1 =	sadd.s32 s1, s30  }
0xc1: {  	s0 =	sor.u32 s3, s0;
	s1 =	sshll.u32 s1, $0x11  }
0xc2: {  	s0 =	sor.u32 s1, s0  }
0xc3: {  	s0 =	sadd.s32 $0x8F2B, s0  }
0xc4: {  	[sflag:s0] =	ssyncadd.remote.s32 $0x1  }
0xc5: {  	_ =	sfence.sel $0xFFFF  }
0xc6: {  	[dreg:$0x0] =	wrdreg $0xFFFFFFFF;
	(pc) =	sbr.abs _section_cstart, $3  }
0xc7: {  	[dreg:$0x1] =	wrdreg $0xFFFFFFFF  }
0xc8: {  	_ =	task.clear_ibuf [dreg:s7], $0x2FFFF;
	_ =	strace $0x9FFFFFFF  }
0xc9: {  	(tm) =	ssettm $0x7FFFFFFF  }
tec
execute0_lowered:
.L_overlay_start_1:
0x0: {  	(tag) =	ssettag $0x1  }
0x1: {  	s0 =	rddreg [dreg:$0x0]  }
0x2: {  	s1 =	srdreg.scid;
	s12 =	rddreg [dreg:$0x1]  }
0x3: {  	s20 =	stileid.u32;
	s2 =	rddreg [dreg:$0x2]  }
0x4: {  	s3 =	simm.s32 $0x0;
	s21 =	simm.s32 $0x57;
	s28 =	simm.s32 $0x7D88  }
0x5: {  	s29 =	simm.s32 $0x2;
	s30 =	simm.s32 $0x93D8;
	s31 =	simm.s32 $0x3  }
0x6: {  	s1 =	sand.u32 $0x1, s1;
	s9 =	smul.u32 $0x30D8, s20;
	[smem:$0x7FF] =	sst s3  }
0x7: {  	s10 =	sadd.s32 $0xA795, s0;
	s11 =	sadd.s32 $0x2DCA8, s2;
	p1 =	seq.s32 s20, $0xF  }
0x8: {  	s4 =	sshll.u32 s1, $0x4;
	_ =	strace $0x80000047;
	s1 =	ssub.s32 $0x2, s1  }
0x9: {  	s4 =	sor.u32 s20, s4;
	s5 =	sshrl.u32 s9, $0x3;
	s24 =	sshrl.u32 s1, $0x1  }
0xa: {  	s9 =	sadd.s32 s9, s2;
	s20 =	simm.s32 $0x61D8;
	s6 =	smul.u32 $0x620, s4  }
0xb: {  	s8 =	sadd.s32 s5, s0;
	s23 =	sshll.u32 s4, $0x1;
	s1 =	ssub.s32 s1, s24  }
0xc: {  	p0 =	seq.s32 s4, $0x1F;
	s4 =	simm.s32 $0x15;
	s24 =	simm.s32 $0x930  }
0xd: {  	s14 =	sadd.s32 s23, s0;
	s4 =	simm.s32 @!p0 $0x18;
	s21 =	simm.s32 @!p0 $0x62  }
0xe: {  	s8 =	sadd.s32 $0x4C00, s8;
	s15 =	smax.u32 s1, $0x1;
	s23 =	simm.s32 $0x1  }
0xf: {  	s1 =	simm.s32 $0x0;
	s13 =	sshrl.u32 s6, $0x3;
	s25 =	sshll.u32 s4, $0x2  }
.Ltmp0:
0x10: {  	s26 =	sshll.u32 s4, $0x6;
	s7 =	sadd.s32 s13, s0;
	(pc) =	sbr.rel .LBB2_1-.Ltmp0, $4  }
0x11: {  	s12 =	sadd.s32 s12, s13;
	s13 =	sadd.s32 $0xAE00, s14;
	s14 =	sadd.s32 $0xB000, s14  }
0x12: {  	s16 =	ssub.s32 s21, s25;
	s17 =	sadd.s32 $0x7A78, s26;
	s18 =	sadd.s32 $0x86D8, s26  }
0x13: {  	s19 =	sadd.s32 $0x8D58, s26;
	p2 =	sgt.u32 s21, s25;
	s26 =	simm.s32 $0x6B08  }
0x14: {  	v0 =	vimm.f32 $0.0e+00;
	s5 =	sadd.s32 $0x200, s7;
	s6 =	sadd.s32 $0x1A80, s7;
	s7 =	sadd.s32 $0x3300, s7  }
.LBB2_17:
0x15: {  	s0 =	smov.u32 s19  }
.LBB2_21:
0x16: {  	v3 =	vsub.f32 $0.0e+00, v3;
	_ =	sdelay $0x1  }
0x17: {  	v3 =	vmul.f32 $1.442695020e+00, v3;
	_ =	sdelay $0x1  }
0x18: {  	(erf) = vpow2.f32 v3;
	_ =	sdelay $0x8  }
0x19: {  	v3 =	vpop (erf)  }
0x1a: {  	v3 =	vadd.f32 $1.000000000e+00, v3;
	_ =	sdelay $0x1  }
0x1b: {  	(erf) = vrcp.f32 v3;
	_ =	sdelay $0x7  }
0x1c: {  	s0 =	sadd.s32 @p3 $0x10, s0;
	s21 =	smov.u32 s19  }
0x1d: {  	s21 =	smov.u32 @p3 s0;
	v3 =	vpop (erf)  }
0x1e: {  	[tilespmem:s21+$0x0] =	vst v3  }
.LBB2_22:
0x1f: {  	s0 =	simm.s32 @p0 $0x0;
	s21 =	simm.s32 @p0 $0x8D58  }
0x20: {  	[hbm4b:s12+s0] =	stream.linear.scatter @p0 [tilespmem:s21], [sflag:$0x3], $0x570, $0x38;
	[tilespmem:$0x9458] =	vst v63  }
0x21: {  	s0 =	simm.s32 @p0 $0x3  }
0x22: {  	_ =	swait.ge @p0 [sflag:s0], $0x570  }
0x23: {  	[sflag:s0] =	ssyncset.done @p0 $0x0  }
0x24: {  	v2 =	vsub.f32 $0.0e+00, v2;
	s21 =	simm.s32 @!p0 $0x8D58;
	[sflag:s0] =	ssyncadd.s32 @p0 $0xFFFFFA90;
	s0 =	simm.s32 @!p0 $0x0  }
0x25: {  	[hbm4b:s12+s0] =	stream.linear.scatter @!p0 [tilespmem:s21], [sflag:$0x3], $0x620, $0x38;
	[tilespmem:$0x9458] =	vst v63  }
0x26: {  	v2 =	vmul.f32 $1.442695020e+00, v2;
	s0 =	simm.s32 @!p0 $0x3  }
0x27: {  	_ =	swait.ge @!p0 [sflag:s0], $0x620  }
0x28: {  	(erf) = vpow2.f32 v2;
	_ =	sdelay $0x8  }
0x29: {  	v2 =	vpop (erf)  }
0x2a: {  	v2 =	vadd.f32 $1.000000000e+00, v2;
	_ =	sdelay $0x1  }
0x2b: {  	(erf) = vrcp.f32 v2;
	_ =	sdelay $0x7  }
0x2c: {  	[sflag:s0] =	ssyncset.done @!p0 $0x0  }
0x2d: {  	[sflag:s0] =	ssyncadd.s32 @!p0 $0xFFFFF9E0;
	v2 =	vpop (erf)  }
0x2e: {  	[tilespmem:$0x93D8] =	vst v2  }
0x2f: {  	[hbm4b:s13+s3] =	stream.linear.scatter [tilespmem:s30], [sflag:$0x3], $0x10, $0x38;
	[tilespmem:$0x9458] =	vst v63  }
0x30: {  	_ =	swait.ge [sflag:s31], $0x10  }
0x31: {  	s1 =	sadd.s32 $0x1, s1;
	[sflag:s31] =	ssyncset.done $0x0  }
0x32: {  	p3 =	sne.s32 s1, s15;
	[sflag:s31] =	ssyncadd.s32 $0xFFFFFFF0  }
.Ltmp1:
0x33: {  	[tilespmem:$0x93D8] =	vst v1;
	(pc) =	sbr.rel @!p3 .LBB2_23-.Ltmp1, $4  }
0x34: {  	[hbm4b:s14+s3] =	stream.linear.scatter [tilespmem:s30], [sflag:$0x3], $0x10, $0x38;
	[tilespmem:$0x9458] =	vst v63  }
0x35: {  	_ =	swait.ge [sflag:s31], $0x10  }
0x36: {  	[sflag:s31] =	ssyncset.done $0x0  }
0x37: {  	[sflag:s31] =	ssyncadd.s32 $0xFFFFFFF0  }
.LBB2_1:
0x38: {  	[tilespmem:s20], [sflag:$0x1] =	stream.linear.gather [hbm4b:s5+s3], $0x620, $0x38;
	[tilespmem:$0x9458] =	vst v63  }
0x39: {  	s0 =	simm.s32 $0x67F8  }
0x3a: {  	[tilespmem:s0], [sflag:$0x1] =	stream.linear.gather [hbm4b:s6+s3], $0x620, $0x38;
	[tilespmem:$0x9458] =	vst v63  }
0x3b: {  	s22 =	simm.s32 $0x6E18  }
0x3c: {  	[tilespmem:s22], [sflag:$0x1] =	stream.linear.gather [hbm4b:s7+s3], $0x620, $0x38;
	[tilespmem:$0x9458] =	vst v63  }
0x3d: {  	_ =	swait.ge [sflag:s23], $0x620  }
0x3e: {  	[sflag:s23] =	ssyncset.done $0x0  }
0x3f: {  	[sflag:s23] =	ssyncadd.s32 $0xFFFFF9E0  }
0x40: {  	_ =	swait.ge [sflag:s23], $0x620  }
0x41: {  	[sflag:s23] =	ssyncset.done $0x0  }
0x42: {  	[sflag:s23] =	ssyncadd.s32 $0xFFFFF9E0  }
0x43: {  	_ =	swait.ge [sflag:s23], $0x620  }
0x44: {  	[sflag:s23] =	ssyncset.done $0x0  }
0x45: {  	s21 =	simm.s32 @p1 $0x30D8;
	s0 =	simm.s32 @p1 $0x0;
	[sflag:s23] =	ssyncadd.s32 $0xFFFFF9E0  }
0x46: {  	[tilespmem:s21], [sflag:$0x3] =	stream.linear.gather @p1 [hbm4b:s10+s0], $0x3098, $0x38;
	[tilespmem:$0x9458] =	vst v63  }
0x47: {  	s0 =	simm.s32 @p1 $0x3  }
0x48: {  	_ =	swait.ge @p1 [sflag:s0], $0x3098  }
0x49: {  	[sflag:s0] =	ssyncset.done @p1 $0x0  }
0x4a: {  	[sflag:s0] =	ssyncadd.s32 @p1 $0xFFFFCF68  }
0x4b: {  	[spmem:s11] =	stream.linear.scatter @p1 [tilespmem:s21], [sflag:$0x3], $0x3098, $0x38;
	[tilespmem:$0x9458] =	vst v63  }
0x4c: {  	_ =	swait.ge @p1 [sflag:s0], $0x3098  }
0x4d: {  	[sflag:s0] =	ssyncset.done @p1 $0x0  }
0x4e: {  	s21 =	simm.s32 @!p1 $0x30D8;
	[sflag:s0] =	ssyncadd.s32 @p1 $0xFFFFCF68;
	s0 =	simm.s32 @!p1 $0x0  }
0x4f: {  	[tilespmem:s21], [sflag:$0x3] =	stream.linear.gather @!p1 [hbm4b:s8+s0], $0x30D8, $0x38;
	[tilespmem:$0x9458] =	vst v63  }
0x50: {  	s0 =	simm.s32 @!p1 $0x3  }
0x51: {  	_ =	swait.ge @!p1 [sflag:s0], $0x30D8  }
0x52: {  	[sflag:s0] =	ssyncset.done @!p1 $0x0  }
0x53: {  	[sflag:s0] =	ssyncadd.s32 @!p1 $0xFFFFCF28  }
0x54: {  	[spmem:s9] =	stream.linear.scatter @!p1 [tilespmem:s21], [sflag:$0x3], $0x30D8, $0x38;
	[tilespmem:$0x9458] =	vst v63  }
0x55: {  	_ =	swait.ge @!p1 [sflag:s0], $0x30D8  }
0x56: {  	[sflag:s0] =	ssyncset.done @!p1 $0x0  }
0x57: {  	[sflag:s0] =	ssyncadd.s32 @!p1 $0xFFFFCF28  }
0x58: {  	s25 =	simm.s32 $0x7458;
	[bflag:$0x0] =	sbarrier.arrive $0xFFFF  }
0x59: {  	[tilespmem:s25], [sflag:$0x2] =	stream.indirect.gather [spmem:s2], $0x1, s20, s24, $0xb8;
	[tilespmem:$0x9458] =	vst v63  }
0x5a: {  	_ = 	snop  }
0x5b: {  	[tilespmem:s28], [sflag:$0x2] =	stream.indirect.gather [spmem:s2], $0x1, s26, s24, $0xb8;
	[tilespmem:$0x9458] =	vst v63  }
0x5c: {  	_ =	swait.ge [sflag:s29], $0x930  }
0x5d: {  	[sflag:s29] =	ssyncset.done $0x0  }
0x5e: {  	[sflag:s29] =	ssyncadd.s32 $0xFFFFF6D0  }
0x5f: {  	_ =	swait.ge [sflag:s29], $0x930  }
0x60: {  	[sflag:s29] =	ssyncset.done $0x0  }
0x61: {  	s0 =	simm.s32 $0x7A98;
	[sflag:s29] =	ssyncadd.s32 $0xFFFFF6D0  }
0x62: {  	v1 =	vld [tilespmem:s0+$0xFFFFFFE0]  }
0x63: {  	v2 =	vld [tilespmem:s0+$0xFFFFF9C0]  }
0x64: {  	v3 =	vld [tilespmem:s0+$0x600];
	_ =	sdelay $0x3  }
0x65: {  	v1 =	vmax.f32 v2, v1  }
0x66: {  	s21 =	simm.s32 $0x86F8;
	v1 =	vmax.f32 v1, v3  }
0x67: {  	[tilespmem:s21+$0xFFFFFFE0] =	vst v1  }
0x68: {  	v2 =	vld [tilespmem:s0+$0xFFFFF9D0]  }
0x69: {  	v3 =	vld [tilespmem:s0+$0xFFFFFFF0]  }
0x6a: {  	v4 =	vld [tilespmem:s0+$0x610];
	_ =	sdelay $0x3  }
0x6b: {  	v2 =	vmax.f32 v2, v3  }
0x6c: {  	v4 =	vmax.f32 v2, v4  }
0x6d: {  	[tilespmem:s21+$0xFFFFFFF0] =	vst v4  }
0x6e: {  	v2 =	vld [tilespmem:s0+$0xFFFFF9E0]  }
0x6f: {  	v3 =	vld [tilespmem:s0+$0x0]  }
0x70: {  	v5 =	vld [tilespmem:s0+$0x620];
	_ =	sdelay $0x3  }
0x71: {  	v2 =	vmax.f32 v2, v3  }
0x72: {  	v2 =	vmax.f32 v2, v5  }
0x73: {  	[tilespmem:s21+$0x0] =	vst v2  }
0x74: {  	v6 =	vimm.f32 $+Inf;
	p3 =	sne.s32 s4, $0x1;
	vm0 =	vgt.f32 v1, $0.0e+00;
	v3 =	vld [tilespmem:s0+$0xFFFFF9F0]  }
.Ltmp2:
0x75: {  	v1 =	vmin.f32 v6, v1;
	v5 =	vsel vm0, $0x3F800000, v0;
	v6 =	vld [tilespmem:s0+$0x10];
	(pc) =	sbr.rel @!p3 .LBB2_3-.Ltmp2, $4  }
0x76: {  	v7 =	vadd.f32 v5, v0;
	v5 =	vld [tilespmem:s0+$0x630]  }
0x77: {  	vm14 =	vgt.f32 v4, $0.0e+00  }
0x78: {  	v8 =	vsel vm14, $0x3F800000, v0;
	vm15 =	vgt.f32 v2, $0.0e+00  }
0x79: {  	s22 =	sadd.s32 $0xFFFFFFFF, s4;
	s25 =	simm.s32 $0x86F8;
	v1 =	vmin.f32 v1, v4;
	v4 =	vsel vm15, $0x3F800000, v0;
	v7 =	vadd.f32 v8, v7  }
.LBB2_2:
0x7a: {  	p3 =	sne.s32 s22, $0x1;
	v3 =	vmax.f32 v3, v6;
	s0 =	sadd.s32 $0x40, s0;
	s25 =	sadd.s32 $0x40, s25  }
0x7b: {  	s22 =	sadd.s32 $0xFFFFFFFF, s22;
	v1 =	vmin.f32 v1, v2;
	v2 =	vadd.f32 v4, v7;
	v3 =	vmax.f32 v3, v5  }
0x7c: {  	[tilespmem:s21+$0x10] =	vst v3;
	v1 =	vmin.f32 v1, v3;
	vm0 =	vgt.f32 v3, $0.0e+00;
	s21 =	smov.u32 s25  }
0x7d: {  	v3 =	vld [tilespmem:s0+$0xFFFFFFE0];
	v4 =	vsel vm0, $0x3F800000, v0  }
0x7e: {  	v5 =	vld [tilespmem:s0+$0xFFFFF9C0];
	v7 =	vadd.f32 v4, v2  }
0x7f: {  	v2 =	vld [tilespmem:s0+$0x600];
	_ =	sdelay $0x3  }
0x80: {  	v3 =	vmax.f32 v5, v3  }
0x81: {  	v2 =	vmax.f32 v3, v2  }
0x82: {  	[tilespmem:s25+$0xFFFFFFE0] =	vst v2;
	vm0 =	vgt.f32 v2, $0.0e+00  }
0x83: {  	v8 =	vsel vm0, $0x3F800000, v0;
	v3 =	vld [tilespmem:s0+$0xFFFFF9D0]  }
0x84: {  	v4 =	vld [tilespmem:s0+$0xFFFFFFF0]  }
0x85: {  	v5 =	vld [tilespmem:s0+$0x610];
	_ =	sdelay $0x3  }
0x86: {  	v3 =	vmax.f32 v3, v4  }
0x87: {  	v1 =	vmin.f32 v1, v2;
	v2 =	vmax.f32 v3, v5  }
0x88: {  	[tilespmem:s25+$0xFFFFFFF0] =	vst v2;
	v1 =	vmin.f32 v1, v2;
	vm0 =	vgt.f32 v2, $0.0e+00  }
0x89: {  	v9 =	vsel vm0, $0x3F800000, v0;
	v2 =	vld [tilespmem:s0+$0xFFFFF9E0]  }
0x8a: {  	v3 =	vld [tilespmem:s0+$0x0]  }
0x8b: {  	v4 =	vld [tilespmem:s0+$0x620];
	_ =	sdelay $0x3  }
0x8c: {  	v2 =	vmax.f32 v2, v3  }
0x8d: {  	v2 =	vmax.f32 v2, v4  }
0x8e: {  	[tilespmem:s25+$0x0] =	vst v2;
	vm0 =	vgt.f32 v2, $0.0e+00  }
0x8f: {  	v4 =	vsel vm0, $0x3F800000, v0;
	v3 =	vld [tilespmem:s0+$0xFFFFF9F0]  }
.Ltmp3:
0x90: {  	v6 =	vld [tilespmem:s0+$0x10];
	(pc) =	sbr.rel @p3 .LBB2_2-.Ltmp3, $3  }
0x91: {  	v5 =	vld [tilespmem:s0+$0x630]  }
0x92: {  	v7 =	vadd.f32 v8, v7;
	_ =	sdelay $0x1  }
0x93: {  	v7 =	vadd.f32 v9, v7  }
.LBB2_3:
.Ltmp4:
0x94: {  	v3 =	vmax.f32 v3, v6;
	(pc) =	sbr.rel @!p2 .LBB2_4-.Ltmp4, $4  }
0x95: {  	v3 =	vmax.f32 v3, v5  }
0x96: {  	v4 =	vadd.f32 v4, v7;
	vm0 =	vgt.f32 v3, $0.0e+00  }
0x97: {  	v1 =	vmin.f32 v1, v2;
	v63 =	vsel vm0, $0x3F800000, v0  }
0x98: {  	[tilespmem:s21+$0x10] =	vst v3;
	v2 =	vmin.f32 v1, v3;
	v1 =	vadd.f32 v63, v4  }
0x99: {  	p4 =	seq.s32 s16, $0x1  }
.Ltmp5:
0x9a: {  	_ = 	snop;
	(pc) =	sbr.rel @p4 .LBB2_7-.Ltmp5, $2  }
0x9b: {  	_ =	sdelay $0x2  }
0x9c: {  	s0 =	sadd.s32 $0xFFFFFFFF, s16;
	p3 =	por $0x0, $0x0  }
0x9d: {  	v3 =	vld [tilespmem:s17+$0x0]  }
0x9e: {  	v4 =	vld [tilespmem:s17+$0xFFFFF9E0]  }
0x9f: {  	v5 =	vld [tilespmem:s17+$0x620];
	_ =	sdelay $0x2  }
0xa0: {  	p4 =	seq.s32 s0, $0x1  }
.Ltmp6:
0xa1: {  	v3 =	vmax.f32 v4, v3;
	(pc) =	sbr.rel @p4 .LBB2_9-.Ltmp6, $3  }
0xa2: {  	v3 =	vmax.f32 v3, v5;
	_ =	sdelay $0x1  }
0xa3: {  	s22 =	sadd.s32 $0xFFFFFFFF, s0  }
0xa4: {  	s0 =	sadd.s32 $0x10, s17;
	p3 =	por $0x1, $0x1;
	s21 =	smov.u32 s18;
	[tilespmem:s18+$0x0] =	vst v3;
	v2 =	vmin.f32 v2, v3;
	vm0 =	vgt.f32 v3, $0.0e+00;
	v3 =	vmov v1  }
.LBB2_10:
0xa5: {  	p4 =	seq.s32 s22, $0x1;
	v4 =	vld [tilespmem:s0+$0x0];
	v5 =	vsel vm0, $0x3F800000, v0  }
0xa6: {  	v6 =	vld [tilespmem:s0+$0xFFFFF9E0];
	v3 =	vadd.f32 v5, v3  }
0xa7: {  	v5 =	vld [tilespmem:s0+$0x620];
	_ =	sdelay $0x1  }
.Ltmp7:
0xa8: {  	(pc) =	sbr.rel @!p4 .LBB2_10-.Ltmp7, $4  }
0xa9: {  	_ = 	snop  }
0xaa: {  	v4 =	vmax.f32 v6, v4  }
0xab: {  	s21 =	sadd.s32 $0x10, s21;
	v4 =	vmax.f32 v4, v5  }
0xac: {  	s22 =	sadd.s32 $0xFFFFFFFF, s22;
	s0 =	sadd.s32 $0x10, s0;
	[tilespmem:s21+$0x0] =	vst v4;
	v2 =	vmin.f32 v2, v4;
	vm0 =	vgt.f32 v4, $0.0e+00  }
.LBB2_11:
0xad: {  	v4 =	vld [tilespmem:s0+$0x0]  }
0xae: {  	v5 =	vld [tilespmem:s0+$0xFFFFF9E0]  }
0xaf: {  	v6 =	vld [tilespmem:s0+$0x620];
	_ =	sdelay $0x3  }
0xb0: {  	v4 =	vmax.f32 v5, v4;
	v5 =	vsel @p3 vm0, $0x3F800000, v0  }
0xb1: {  	v3 =	vadd.f32 @p3 v5, v3;
	v4 =	vmax.f32 v4, v6  }
0xb2: {  	s0 =	sadd.s32 @p3 $0x10, s21;
	s21 =	smov.u32 s18;
	vm15 =	vgt.f32 v4, $0.0e+00  }
0xb3: {  	s21 =	smov.u32 @p3 s0;
	v1 =	vpsel p3, v3, v1;
	v3 =	vsel vm15, $0x3F800000, v0  }
0xb4: {  	[tilespmem:s21+$0x0] =	vst v4;
	v2 =	vmin.f32 v2, v4;
	v1 =	vadd.f32 v3, v1  }
.LBB2_4:
0xb5: {  	p4 =	seq.s32 s4, $0x1  }
.Ltmp8:
0xb6: {  	_ = 	snop;
	(pc) =	sbr.rel @p4 .LBB2_5-.Ltmp8, $3  }
0xb7: {  	_ =	sdelay $0x1  }
0xb8: {  	s21 =	simm.s32 $0x86F8  }
0xb9: {  	s0 =	simm.s32 $0x8D78;
	s22 =	sadd.s32 $0xFFFFFFFF, s4;
	p3 =	por $0x0, $0x0;
	v3 =	vld [tilespmem:s21+$0xFFFFFFE0]  }
0xba: {  	_ =	sdelay $0x3  }
0xbb: {  	v3 =	vsub.f32 $0.0e+00, v3;
	_ =	sdelay $0x1  }
0xbc: {  	v3 =	vmul.f32 $1.442695020e+00, v3;
	_ =	sdelay $0x1  }
0xbd: {  	(erf) = vpow2.f32 v3;
	_ =	sdelay $0x8  }
0xbe: {  	v3 =	vpop (erf)  }
0xbf: {  	v3 =	vadd.f32 $1.000000000e+00, v3;
	_ =	sdelay $0x1  }
0xc0: {  	(erf) = vrcp.f32 v3;
	_ =	sdelay $0x8  }
0xc1: {  	v3 =	vpop (erf)  }
0xc2: {  	[tilespmem:s0+$0xFFFFFFE0] =	vst v3  }
0xc3: {  	v3 =	vld [tilespmem:s21+$0xFFFFFFF0];
	_ =	sdelay $0x4  }
0xc4: {  	v3 =	vsub.f32 $0.0e+00, v3;
	_ =	sdelay $0x1  }
0xc5: {  	v3 =	vmul.f32 $1.442695020e+00, v3;
	_ =	sdelay $0x1  }
0xc6: {  	(erf) = vpow2.f32 v3;
	_ =	sdelay $0x8  }
0xc7: {  	v3 =	vpop (erf)  }
0xc8: {  	v3 =	vadd.f32 $1.000000000e+00, v3;
	_ =	sdelay $0x1  }
0xc9: {  	(erf) = vrcp.f32 v3;
	_ =	sdelay $0x8  }
0xca: {  	v3 =	vpop (erf)  }
0xcb: {  	[tilespmem:s0+$0xFFFFFFF0] =	vst v3  }
0xcc: {  	v3 =	vld [tilespmem:s21+$0x0];
	_ =	sdelay $0x4  }
0xcd: {  	v3 =	vsub.f32 $0.0e+00, v3;
	_ =	sdelay $0x1  }
0xce: {  	v3 =	vmul.f32 $1.442695020e+00, v3;
	_ =	sdelay $0x1  }
0xcf: {  	(erf) = vpow2.f32 v3;
	_ =	sdelay $0x8  }
0xd0: {  	v3 =	vpop (erf)  }
0xd1: {  	v3 =	vadd.f32 $1.000000000e+00, v3;
	_ =	sdelay $0x1  }
0xd2: {  	(erf) = vrcp.f32 v3;
	_ =	sdelay $0x8  }
0xd3: {  	v3 =	vpop (erf)  }
0xd4: {  	[tilespmem:s0+$0x0] =	vst v3  }
0xd5: {  	v3 =	vld [tilespmem:s21+$0x10];
	_ =	sdelay $0x4  }
0xd6: {  	v3 =	vsub.f32 $0.0e+00, v3;
	_ =	sdelay $0x1  }
0xd7: {  	v3 =	vmul.f32 $1.442695020e+00, v3;
	_ =	sdelay $0x1  }
0xd8: {  	(erf) = vpow2.f32 v3;
	_ =	sdelay $0x8  }
0xd9: {  	v3 =	vpop (erf)  }
0xda: {  	v3 =	vadd.f32 $1.000000000e+00, v3;
	_ =	sdelay $0x1  }
0xdb: {  	(erf) = vrcp.f32 v3;
	_ =	sdelay $0x5  }
0xdc: {  	p4 =	seq.s32 s22, $0x1  }
.Ltmp9:
0xdd: {  	_ = 	snop;
	(pc) =	sbr.rel @p4 .LBB2_13-.Ltmp9, $4  }
0xde: {  	_ = 	snop  }
0xdf: {  	v3 =	vpop (erf)  }
0xe0: {  	s21 =	simm.s32 $0x8738;
	[tilespmem:s0+$0x10] =	vst v3  }
0xe1: {  	s25 =	sadd.s32 $0xFFFFFFFF, s22;
	p3 =	por $0x1, $0x1;
	s22 =	simm.s32 $0x8D78;
	v3 =	vld [tilespmem:s21+$0xFFFFFFE0]  }
.LBB2_14:
0xe2: {  	p4 =	seq.s32 s25, $0x1;
	_ =	sdelay $0x3  }
0xe3: {  	v3 =	vsub.f32 $0.0e+00, v3;
	_ =	sdelay $0x1  }
0xe4: {  	v3 =	vmul.f32 $1.442695020e+00, v3;
	_ =	sdelay $0x1  }
0xe5: {  	(erf) = vpow2.f32 v3;
	_ =	sdelay $0x8  }
0xe6: {  	v3 =	vpop (erf)  }
0xe7: {  	v3 =	vadd.f32 $1.000000000e+00, v3;
	_ =	sdelay $0x1  }
0xe8: {  	(erf) = vrcp.f32 v3;
	_ =	sdelay $0x8  }
0xe9: {  	s22 =	sadd.s32 $0x40, s22;
	v3 =	vpop (erf)  }
0xea: {  	[tilespmem:s22+$0xFFFFFFE0] =	vst v3  }
0xeb: {  	v3 =	vld [tilespmem:s21+$0xFFFFFFF0];
	_ =	sdelay $0x4  }
0xec: {  	v3 =	vsub.f32 $0.0e+00, v3;
	_ =	sdelay $0x1  }
0xed: {  	v3 =	vmul.f32 $1.442695020e+00, v3;
	_ =	sdelay $0x1  }
0xee: {  	(erf) = vpow2.f32 v3;
	_ =	sdelay $0x8  }
0xef: {  	v3 =	vpop (erf)  }
0xf0: {  	v3 =	vadd.f32 $1.000000000e+00, v3;
	_ =	sdelay $0x1  }
0xf1: {  	(erf) = vrcp.f32 v3;
	_ =	sdelay $0x8  }
0xf2: {  	v3 =	vpop (erf)  }
0xf3: {  	[tilespmem:s22+$0xFFFFFFF0] =	vst v3  }
0xf4: {  	v3 =	vld [tilespmem:s21+$0x0];
	_ =	sdelay $0x4  }
0xf5: {  	v3 =	vsub.f32 $0.0e+00, v3;
	_ =	sdelay $0x1  }
0xf6: {  	v3 =	vmul.f32 $1.442695020e+00, v3;
	_ =	sdelay $0x1  }
0xf7: {  	(erf) = vpow2.f32 v3;
	_ =	sdelay $0x8  }
0xf8: {  	v3 =	vpop (erf)  }
0xf9: {  	v3 =	vadd.f32 $1.000000000e+00, v3;
	_ =	sdelay $0x1  }
0xfa: {  	(erf) = vrcp.f32 v3;
	_ =	sdelay $0x8  }
0xfb: {  	v3 =	vpop (erf)  }
0xfc: {  	[tilespmem:s22+$0x0] =	vst v3  }
0xfd: {  	v3 =	vld [tilespmem:s21+$0x10];
	_ =	sdelay $0x4  }
0xfe: {  	v3 =	vsub.f32 $0.0e+00, v3;
	_ =	sdelay $0x1  }
0xff: {  	v3 =	vmul.f32 $1.442695020e+00, v3;
	_ =	sdelay $0x1  }
0x100: {  	(erf) = vpow2.f32 v3;
	_ =	sdelay $0x8  }
0x101: {  	v3 =	vpop (erf)  }
0x102: {  	v3 =	vadd.f32 $1.000000000e+00, v3;
	_ =	sdelay $0x1  }
0x103: {  	(erf) = vrcp.f32 v3;
	_ =	sdelay $0x6  }
.Ltmp10:
0x104: {  	(pc) =	sbr.rel @!p4 .LBB2_14-.Ltmp10, $4  }
0x105: {  	_ = 	snop  }
0x106: {  	v3 =	vpop (erf)  }
0x107: {  	s21 =	sadd.s32 $0x40, s21;
	[tilespmem:s22+$0x10] =	vst v3  }
0x108: {  	s25 =	sadd.s32 $0xFFFFFFFF, s25;
	v3 =	vld [tilespmem:s21+$0xFFFFFFE0]  }
.LBB2_15:
0x109: {  	_ =	sdelay $0x3  }
0x10a: {  	v3 =	vsub.f32 $0.0e+00, v3;
	_ =	sdelay $0x1  }
0x10b: {  	v3 =	vmul.f32 $1.442695020e+00, v3;
	_ =	sdelay $0x1  }
0x10c: {  	(erf) = vpow2.f32 v3;
	_ =	sdelay $0x8  }
0x10d: {  	v3 =	vpop (erf)  }
0x10e: {  	v3 =	vadd.f32 $1.000000000e+00, v3;
	_ =	sdelay $0x1  }
0x10f: {  	(erf) = vrcp.f32 v3;
	_ =	sdelay $0x7  }
0x110: {  	s22 =	sadd.s32 @p3 $0x40, s22  }
0x111: {  	s0 =	smov.u32 @p3 s22;
	v3 =	vpop (erf)  }
0x112: {  	[tilespmem:s0+$0xFFFFFFE0] =	vst v3  }
0x113: {  	v3 =	vld [tilespmem:s21+$0xFFFFFFF0];
	_ =	sdelay $0x4  }
0x114: {  	v3 =	vsub.f32 $0.0e+00, v3;
	_ =	sdelay $0x1  }
0x115: {  	v3 =	vmul.f32 $1.442695020e+00, v3;
	_ =	sdelay $0x1  }
0x116: {  	(erf) = vpow2.f32 v3;
	_ =	sdelay $0x8  }
0x117: {  	v3 =	vpop (erf)  }
0x118: {  	v3 =	vadd.f32 $1.000000000e+00, v3;
	_ =	sdelay $0x1  }
0x119: {  	(erf) = vrcp.f32 v3;
	_ =	sdelay $0x8  }
0x11a: {  	v3 =	vpop (erf)  }
0x11b: {  	[tilespmem:s0+$0xFFFFFFF0] =	vst v3  }
0x11c: {  	v3 =	vld [tilespmem:s21+$0x0];
	_ =	sdelay $0x4  }
0x11d: {  	v3 =	vsub.f32 $0.0e+00, v3;
	_ =	sdelay $0x1  }
0x11e: {  	v3 =	vmul.f32 $1.442695020e+00, v3;
	_ =	sdelay $0x1  }
0x11f: {  	(erf) = vpow2.f32 v3;
	_ =	sdelay $0x8  }
0x120: {  	v3 =	vpop (erf)  }
0x121: {  	v3 =	vadd.f32 $1.000000000e+00, v3;
	_ =	sdelay $0x1  }
0x122: {  	(erf) = vrcp.f32 v3;
	_ =	sdelay $0x8  }
0x123: {  	v3 =	vpop (erf)  }
0x124: {  	[tilespmem:s0+$0x0] =	vst v3  }
0x125: {  	v3 =	vld [tilespmem:s21+$0x10];
	_ =	sdelay $0x4  }
0x126: {  	v3 =	vsub.f32 $0.0e+00, v3;
	_ =	sdelay $0x1  }
0x127: {  	v3 =	vmul.f32 $1.442695020e+00, v3;
	_ =	sdelay $0x1  }
0x128: {  	(erf) = vpow2.f32 v3;
	_ =	sdelay $0x8  }
0x129: {  	v3 =	vpop (erf)  }
0x12a: {  	v3 =	vadd.f32 $1.000000000e+00, v3;
	_ =	sdelay $0x1  }
0x12b: {  	(erf) = vrcp.f32 v3;
	_ =	sdelay $0x5  }
.Ltmp11:
0x12c: {  	_ = 	snop;
	(pc) =	sbr.rel @!p2 .LBB2_22-.Ltmp11, $3  }
0x12d: {  	_ =	sdelay $0x1  }
0x12e: {  	v3 =	vpop (erf)  }
0x12f: {  	[tilespmem:s0+$0x10] =	vst v3  }
0x130: {  	p4 =	sne.s32 s16, $0x1  }
.Ltmp12:
0x131: {  	v3 =	vld [tilespmem:s18+$0x0];
	(pc) =	sbr.rel @!p4 .LBB2_17-.Ltmp12, $2  }
0x132: {  	_ =	sdelay $0x2  }
0x133: {  	s0 =	sadd.s32 $0xFFFFFFFF, s16;
	p3 =	por $0x0, $0x0  }
0x134: {  	v3 =	vsub.f32 $0.0e+00, v3;
	_ =	sdelay $0x1  }
0x135: {  	v3 =	vmul.f32 $1.442695020e+00, v3;
	_ =	sdelay $0x1  }
0x136: {  	(erf) = vpow2.f32 v3;
	_ =	sdelay $0x8  }
0x137: {  	v3 =	vpop (erf)  }
0x138: {  	v3 =	vadd.f32 $1.000000000e+00, v3;
	_ =	sdelay $0x1  }
0x139: {  	(erf) = vrcp.f32 v3;
	_ =	sdelay $0x8  }
0x13a: {  	v3 =	vpop (erf)  }
0x13b: {  	p4 =	sne.s32 s0, $0x1;
	s21 =	sadd.s32 $0x10, s18;
	[tilespmem:s19+$0x0] =	vst v3  }
.Ltmp13:
0x13c: {  	v3 =	vld [tilespmem:s21+$0x0];
	(pc) =	sbr.rel @!p4 .LBB2_19-.Ltmp13, $2  }
0x13d: {  	_ =	sdelay $0x2  }
0x13e: {  	s22 =	sadd.s32 $0xFFFFFFFF, s0;
	p3 =	por $0x1, $0x1;
	s0 =	smov.u32 s19  }
.LBB2_20:
0x13f: {  	p4 =	sne.s32 s22, $0x1;
	_ =	sdelay $0x3  }
0x140: {  	v3 =	vsub.f32 $0.0e+00, v3;
	_ =	sdelay $0x1  }
0x141: {  	v3 =	vmul.f32 $1.442695020e+00, v3;
	_ =	sdelay $0x1  }
0x142: {  	(erf) = vpow2.f32 v3;
	_ =	sdelay $0x8  }
0x143: {  	v3 =	vpop (erf)  }
0x144: {  	v3 =	vadd.f32 $1.000000000e+00, v3;
	_ =	sdelay $0x1  }
0x145: {  	(erf) = vrcp.f32 v3;
	_ =	sdelay $0x6  }
.Ltmp14:
0x146: {  	(pc) =	sbr.rel @p4 .LBB2_20-.Ltmp14, $4  }
0x147: {  	_ = 	snop  }
0x148: {  	s0 =	sadd.s32 $0x10, s0;
	v3 =	vpop (erf)  }
0x149: {  	s21 =	sadd.s32 $0x10, s21;
	[tilespmem:s0+$0x0] =	vst v3  }
0x14a: {  	s22 =	sadd.s32 $0xFFFFFFFF, s22;
	v3 =	vld [tilespmem:s21+$0x0]  }
.Ltmp15:
0x14b: {  	_ = 	snop;
	(pc) =	sbr.rel .LBB2_21-.Ltmp15, $1  }
0x14c: {  	_ =	sdelay $0x3  }
.LBB2_5:
.Ltmp16:
0x14d: {  	(pc) =	sbr.rel .LBB2_15-.Ltmp16, $2  }
0x14e: {  	_ =	sdelay $0x2  }
0x14f: {  	s22 =	simm.s32 $0x8D78  }
.LBB2_13:
.Ltmp17:
0x150: {  	(pc) =	sbr.rel .LBB2_15-.Ltmp17, $2  }
0x151: {  	_ =	sdelay $0x2  }
0x152: {  	s22 =	simm.s32 $0x8D78  }
.LBB2_7:
.Ltmp18:
0x153: {  	(pc) =	sbr.rel .LBB2_11-.Ltmp18, $2  }
0x154: {  	_ =	sdelay $0x2  }
0x155: {  	s0 =	smov.u32 s17;
	v3 =	vmov v1;
	s21 =	smov.u32 s18  }
.LBB2_9:
.Ltmp19:
0x156: {  	(pc) =	sbr.rel .LBB2_11-.Ltmp19, $2  }
0x157: {  	_ =	sdelay $0x2  }
0x158: {  	v3 =	vmov v1;
	s21 =	smov.u32 s18  }
.LBB2_19:
.Ltmp20:
0x159: {  	(pc) =	sbr.rel .LBB2_21-.Ltmp20, $2  }
0x15a: {  	_ =	sdelay $0x2  }
0x15b: {  	s0 =	smov.u32 s19  }
.LBB2_23:
0x15c: {  	_ =	sfence.sel $0x180000  }
0x15d: {  	[bflag:$0x0] =	sbarrier.arrive $0xFFFF  }
0x15e: {  	_ =	strace $0x90000047  }
0x15f: {  	s0 =	stileid.u32;
	[bflag:$0x2] =	sbarrier.arrive $0xFFFF  }
0x160: {  	p0 =	sne.s32 s0, $0x0;
	s0 =	rddreg [dreg:$0x3]  }
0x161: {  	s0 =	sadd.s32 @!p0 $0x100000, s0  }
0x162: {  	[sflag:s0] =	ssyncadd.tile.s32 @!p0 $0x1;
	_ =	shalt  }
.Lfunc_end2:
_tile_overlayer_lowered:
.L_overlay_start_2:
0x163: {  	(tag) =	ssettag $0x2  }
0x164: {  	s0 =	rddreg [dreg:$0x0];
	s2 =	stileid.u32  }
0x165: {  	s1 =	rddreg [dreg:$0x1];
	p0 =	sne.s32 s2, $0x0  }
0x166: {  	s3 =	rddreg [dreg:$0x2];
	[bflag:$0x3] =	sbarrier.arrive $0xFFFF;
	s2 =	simm.s32 @!p0 $0x1C03  }
0x167: {  	[timem:s3], [sflag:s2] =	dma.local @!p0 [hbm:s0], s1  }
0x168: {  	s0 =	simm.s32 @!p0 $0x3  }
0x169: {  	_ =	swait.ge @!p0 [sflag:s0], s1  }
0x16a: {  	s1 =	ssub.s32 @!p0 $0x0, s1;
	[sflag:s0] =	ssyncset.done @!p0 $0x0  }
0x16b: {  	[sflag:s0] =	ssyncadd.s32 @!p0 s1  }
0x16c: {  	[bflag:$0x3] =	sbarrier.arrive $0xFFFF  }
0x16d: {  	_ =	shalt  }

</sc_bundles>
